<compile_context>
chip_gen: v7x
topology: tpu7x:2x2x1
jax: 0.10.2.dev20260603
libtpu: 0.0.44.dev20260713+nightly
codegen_flags: <defaults>
</compile_context>

<pallas_src>
import jax
import jax.numpy as jnp
from jax import lax
from jax.experimental import pallas as pl
from jax.experimental.pallas import tpu as pltpu
from jax.experimental.pallas import tpu_sc as plsc

_INPUT_SCALE = 0.0627
_QMAX = 255.0

_ROWS = 128
_COLS = 32768
_HALF = _COLS // 2
_LANES = 16
_NC = 2
_NS = 16
_NW = _NC * _NS
_ROWS_PER_W = _ROWS // _NW
_NBUF = 3
_UNROLL = 8


def _quantize_gather_sum(buf, lut, lo, hi, acc0):

    @plsc.parallel_loop(lo, hi, _LANES, unroll=_UNROLL, carry=acc0)
    def p1(i, acc):
        x = buf[pl.ds(i, _LANES)]
        q = jnp.clip(x / _INPUT_SCALE, 0.0, _QMAX).astype(jnp.int32)
        e = plsc.load_gather(lut, [q])
        buf[pl.ds(i, _LANES)] = e
        return acc + e

    return p1


def _scale(buf, inv, lo, hi):

    @plsc.parallel_loop(lo, hi, _LANES, unroll=_UNROLL)
    def p2(i):
        buf[pl.ds(i, _LANES)] = buf[pl.ds(i, _LANES)] * inv


def _body(in_hbm, lut_hbm, out_hbm,
          buf0, buf1, buf2, lut,
          i0, i1, i2, o0, o1, o2):
    wid = lax.axis_index("s") * _NC + lax.axis_index("c")
    base = wid * _ROWS_PER_W

    bufs = (buf0, buf1, buf2)
    isems = (i0, i1, i2)
    osems = (o0, o1, o2)
    in_cp = [None] * _ROWS_PER_W
    out_cp = [None] * _ROWS_PER_W
    zero = jnp.zeros((_LANES,), jnp.float32)

    cp_h0 = pltpu.async_copy(in_hbm.at[base, pl.ds(0, _HALF)],
                             buf0.at[pl.ds(0, _HALF)], isems[0])
    lut_cp = pltpu.async_copy(lut_hbm, lut, o0)
    cp_h1 = pltpu.async_copy(in_hbm.at[base, pl.ds(_HALF, _HALF)],
                             buf0.at[pl.ds(_HALF, _HALF)], o1)
    in_cp[1] = pltpu.async_copy(in_hbm.at[base + 1], bufs[1], isems[1])
    lut_cp.wait()

    for rr in range(_ROWS_PER_W):
        b = rr % _NBUF
        buf = bufs[b]
        if rr == 0:
            cp_h0.wait()
            acc = _quantize_gather_sum(buf, lut, 0, _HALF, zero)
            cp_h1.wait()
            acc = _quantize_gather_sum(buf, lut, _HALF, _COLS, acc)
        else:
            in_cp[rr].wait()
            acc = _quantize_gather_sum(buf, lut, 0, _COLS, zero)

        total = jnp.broadcast_to(jnp.sum(acc), (_LANES,))
        inv = jnp.ones((_LANES,), jnp.float32) / total

        if rr >= 1:
            out_cp[rr - 1].wait()
        if rr + 2 < _ROWS_PER_W:
            nb = (rr + 2) % _NBUF
            in_cp[rr + 2] = pltpu.async_copy(
                in_hbm.at[base + rr + 2], bufs[nb], isems[nb])

        if rr < _ROWS_PER_W - 1:
            _scale(buf, inv, 0, _COLS)
            out_cp[rr] = pltpu.async_copy(buf, out_hbm.at[base + rr], osems[b])
        else:
            _scale(buf, inv, 0, _HALF)
            last_a = pltpu.async_copy(
                buf.at[pl.ds(0, _HALF)],
                out_hbm.at[base + rr, pl.ds(0, _HALF)], osems[b])
            _scale(buf, inv, _HALF, _COLS)
            last_b = pltpu.async_copy(
                buf.at[pl.ds(_HALF, _HALF)],
                out_hbm.at[base + rr, pl.ds(_HALF, _HALF)], isems[0])
            last_a.wait()
            last_b.wait()


def kernel(input, array):
    mesh = plsc.VectorSubcoreMesh(core_axis_name="c", subcore_axis_name="s")
    f = pl.kernel(
        _body,
        mesh=mesh,
        out_type=jax.ShapeDtypeStruct((_ROWS, _COLS), jnp.float32),
        scratch_types=[
            pltpu.VMEM((_COLS,), jnp.float32),
            pltpu.VMEM((_COLS,), jnp.float32),
            pltpu.VMEM((_COLS,), jnp.float32),
            pltpu.VMEM((256,), jnp.float32),
            pltpu.SemaphoreType.DMA,
            pltpu.SemaphoreType.DMA,
            pltpu.SemaphoreType.DMA,
            pltpu.SemaphoreType.DMA,
            pltpu.SemaphoreType.DMA,
            pltpu.SemaphoreType.DMA,
        ],
        compiler_params=pltpu.CompilerParams(needs_layout_passes=False),
    )
    return f(input, array)

# --- scband reference (transcript-rebuilt; emitter-appended) ---
"""Pipeline reference for scband-quantized-softmax-array-37409165148333 (READ-ONLY COPY).

The authoritative reference and input builder live on the scoring server;
editing this copy changes nothing except your own understanding.
"""

import jax, jax.numpy as jnp
import numpy as np

DIM = -1
INPUT_SCALE = 0.0627
INPUT_ZP = 0
OUTPUT_SCALE = 0.00390625
OUTPUT_ZP = 0
QMIN = 0
QMAX = 255


def _build_array():
    # Mirrors QuantizedSoftmaxArray._build_array
    quant_input = jnp.arange(QMIN, QMAX + 1, dtype=jnp.float32)
    dequantized = (quant_input - INPUT_ZP) * INPUT_SCALE
    dequantized = dequantized - dequantized[-1]
    exp = jnp.exp(dequantized)
    quant_output = exp / OUTPUT_SCALE + OUTPUT_ZP
    return quant_output


def setup_inputs(seed: int = 0) -> dict:
    key = jax.random.key(seed)
    x = jax.random.normal(key, (128, 32768), dtype=jnp.float32)
    array = _build_array()
    return {"input": x, "array": array}


def reference(input, array):
    # float input path: quantize, clamp to [QMIN, QMAX], cast to int
    q = jnp.clip(input / INPUT_SCALE + INPUT_ZP, QMIN, QMAX).astype(jnp.int32)
    # LUT gather (embedding-style lookup into the 256-entry exp table)
    exp = jnp.take(array, q + QMIN, axis=0)
    # no_sum == False -> reduce over dim
    sum_ = jnp.sum(exp, axis=DIM, keepdims=True)
    output = exp / sum_
    return output

if __name__ == "__main__":
    import jax
    _d = setup_inputs()
    print(jax.jit(kernel)(*tuple(_d.values())))

</pallas_src>

<mosaic_0001>
#map = affine_map<(d0, d1) -> (0, 0)>
#map1 = affine_map<(d0, d1) -> (0)>
module attributes {stable_mosaic.version = 14 : i64} {
  func.func @_body(%arg0: i32, %arg1: i32, %arg2: memref<128x32768xf32, #tpu.memory_space<hbm>>, %arg3: memref<256xf32, #tpu.memory_space<hbm>>, %arg4: memref<128x32768xf32, #tpu.memory_space<hbm>>, %arg5: memref<32768xf32, #tpu.memory_space<vmem>>, %arg6: memref<32768xf32, #tpu.memory_space<vmem>>, %arg7: memref<32768xf32, #tpu.memory_space<vmem>>, %arg8: memref<256xf32, #tpu.memory_space<vmem>>, %arg9: memref<!tpu.dma_semaphore, #tpu.memory_space<semaphore_mem>>, %arg10: memref<!tpu.dma_semaphore, #tpu.memory_space<semaphore_mem>>, %arg11: memref<!tpu.dma_semaphore, #tpu.memory_space<semaphore_mem>>, %arg12: memref<!tpu.dma_semaphore, #tpu.memory_space<semaphore_mem>>, %arg13: memref<!tpu.dma_semaphore, #tpu.memory_space<semaphore_mem>>, %arg14: memref<!tpu.dma_semaphore, #tpu.memory_space<semaphore_mem>>) attributes {dimension_semantics = [#tpu.dimension_semantics<core_parallel>, #tpu.dimension_semantics<subcore_parallel>], iteration_bounds = array<i64: 2, 16>, scalar_prefetch = 0 : i64, scratch_operands = 10 : i64, tpu.core_type = #tpu.core_type<sc_vector_subcore>, window_params = [{transform_indices = #map}, {transform_indices = #map1}, {transform_indices = #map}]} {
    %mul3A = arith.constant 2 : i32
    %mul3A_0 = arith.muli %arg1, %mul3A : i32
    %add3A = arith.addi %mul3A_0, %arg0 : i32
    %mul3A_1 = arith.constant 4 : i32
    %mul3A_2 = arith.muli %add3A, %mul3A_1 : i32
    %broadcast_in_dim3A = arith.constant 0.000000e+00 : f32
    %broadcast_in_dim3A_3 = vector.broadcast %broadcast_in_dim3A : f32 to vector<16xf32>
    %dma_start3A = arith.constant 0 : i32
    %dma_start3A_4 = tpu.memref_slice %arg5[%dma_start3A] : memref<32768xf32, #tpu.memory_space<vmem>> -> memref<16384xf32, #tpu.memory_space<vmem>>
    %dma_start3A_5 = arith.constant 0 : i32
    %dma_start3A_6 = tpu.memref_slice %arg2[%mul3A_2, %dma_start3A_5] : memref<128x32768xf32, #tpu.memory_space<hbm>> -> memref<1x16384xf32, #tpu.memory_space<hbm>>
    %dma_start3A_7 = tpu.memref_squeeze %dma_start3A_6 : memref<1x16384xf32, #tpu.memory_space<hbm>> -> memref<16384xf32, #tpu.memory_space<hbm>>
    %dma_start3A_8 = arith.constant 0 : i32
    %dma_start3A_9 = tpu.memref_slice %arg5[%dma_start3A_8] : memref<32768xf32, #tpu.memory_space<vmem>> -> memref<16384xf32, #tpu.memory_space<vmem>>
    %dma_start3A_10 = arith.constant 0 : i32
    %dma_start3A_11 = tpu.memref_slice %arg2[%mul3A_2, %dma_start3A_10] : memref<128x32768xf32, #tpu.memory_space<hbm>> -> memref<1x16384xf32, #tpu.memory_space<hbm>>
    %dma_start3A_12 = tpu.memref_squeeze %dma_start3A_11 : memref<1x16384xf32, #tpu.memory_space<hbm>> -> memref<16384xf32, #tpu.memory_space<hbm>>
    tpu.enqueue_dma source(%dma_start3A_12 : memref<16384xf32, #tpu.memory_space<hbm>>) target(%dma_start3A_9 : memref<16384xf32, #tpu.memory_space<vmem>>) target_semaphore(%arg9 : memref<!tpu.dma_semaphore, #tpu.memory_space<semaphore_mem>>)
    tpu.enqueue_dma source(%arg3 : memref<256xf32, #tpu.memory_space<hbm>>) target(%arg8 : memref<256xf32, #tpu.memory_space<vmem>>) target_semaphore(%arg12 : memref<!tpu.dma_semaphore, #tpu.memory_space<semaphore_mem>>)
    %dma_start3A_13 = arith.constant 16384 : i32
    %dma_start3A_14 = tpu.memref_slice %arg5[%dma_start3A_13] : memref<32768xf32, #tpu.memory_space<vmem>> -> memref<16384xf32, #tpu.memory_space<vmem>>
    %dma_start3A_15 = arith.constant 16384 : i32
    %dma_start3A_16 = tpu.memref_slice %arg2[%mul3A_2, %dma_start3A_15] : memref<128x32768xf32, #tpu.memory_space<hbm>> -> memref<1x16384xf32, #tpu.memory_space<hbm>>
    %dma_start3A_17 = tpu.memref_squeeze %dma_start3A_16 : memref<1x16384xf32, #tpu.memory_space<hbm>> -> memref<16384xf32, #tpu.memory_space<hbm>>
    %dma_start3A_18 = arith.constant 16384 : i32
    %dma_start3A_19 = tpu.memref_slice %arg5[%dma_start3A_18] : memref<32768xf32, #tpu.memory_space<vmem>> -> memref<16384xf32, #tpu.memory_space<vmem>>
    %dma_start3A_20 = arith.constant 16384 : i32
    %dma_start3A_21 = tpu.memref_slice %arg2[%mul3A_2, %dma_start3A_20] : memref<128x32768xf32, #tpu.memory_space<hbm>> -> memref<1x16384xf32, #tpu.memory_space<hbm>>
    %dma_start3A_22 = tpu.memref_squeeze %dma_start3A_21 : memref<1x16384xf32, #tpu.memory_space<hbm>> -> memref<16384xf32, #tpu.memory_space<hbm>>
    tpu.enqueue_dma source(%dma_start3A_22 : memref<16384xf32, #tpu.memory_space<hbm>>) target(%dma_start3A_19 : memref<16384xf32, #tpu.memory_space<vmem>>) target_semaphore(%arg13 : memref<!tpu.dma_semaphore, #tpu.memory_space<semaphore_mem>>)
    %add3A_23 = arith.constant 1 : i32
    %add3A_24 = arith.addi %mul3A_2, %add3A_23 : i32
    %dma_start3A_25 = arith.constant 0 : i32
    %dma_start3A_26 = tpu.memref_slice %arg2[%add3A_24, %dma_start3A_25] : memref<128x32768xf32, #tpu.memory_space<hbm>> -> memref<1x32768xf32, #tpu.memory_space<hbm>>
    %dma_start3A_27 = tpu.memref_squeeze %dma_start3A_26 : memref<1x32768xf32, #tpu.memory_space<hbm>> -> memref<32768xf32, #tpu.memory_space<hbm>>
    %dma_start3A_28 = arith.constant 0 : i32
    %dma_start3A_29 = tpu.memref_slice %arg2[%add3A_24, %dma_start3A_28] : memref<128x32768xf32, #tpu.memory_space<hbm>> -> memref<1x32768xf32, #tpu.memory_space<hbm>>
    %dma_start3A_30 = tpu.memref_squeeze %dma_start3A_29 : memref<1x32768xf32, #tpu.memory_space<hbm>> -> memref<32768xf32, #tpu.memory_space<hbm>>
    tpu.enqueue_dma source(%dma_start3A_30 : memref<32768xf32, #tpu.memory_space<hbm>>) target(%arg6 : memref<32768xf32, #tpu.memory_space<vmem>>) target_semaphore(%arg10 : memref<!tpu.dma_semaphore, #tpu.memory_space<semaphore_mem>>)
    tpu.wait_dma2 semaphore(%arg12 : memref<!tpu.dma_semaphore, #tpu.memory_space<semaphore_mem>>) src(%arg3 : memref<256xf32, #tpu.memory_space<hbm>>) dst(%arg8 : memref<256xf32, #tpu.memory_space<vmem>>)
    %dma_wait3A = arith.constant 0 : i32
    %dma_wait3A_31 = tpu.memref_slice %arg5[%dma_wait3A] : memref<32768xf32, #tpu.memory_space<vmem>> -> memref<16384xf32, #tpu.memory_space<vmem>>
    %dma_wait3A_32 = arith.constant 0 : i32
    %dma_wait3A_33 = tpu.memref_slice %arg2[%mul3A_2, %dma_wait3A_32] : memref<128x32768xf32, #tpu.memory_space<hbm>> -> memref<1x16384xf32, #tpu.memory_space<hbm>>
    %dma_wait3A_34 = tpu.memref_squeeze %dma_wait3A_33 : memref<1x16384xf32, #tpu.memory_space<hbm>> -> memref<16384xf32, #tpu.memory_space<hbm>>
    %dma_wait3A_35 = arith.constant 0 : i32
    %dma_wait3A_36 = tpu.memref_slice %arg5[%dma_wait3A_35] : memref<32768xf32, #tpu.memory_space<vmem>> -> memref<16384xf32, #tpu.memory_space<vmem>>
    %dma_wait3A_37 = arith.constant 0 : i32
    %dma_wait3A_38 = tpu.memref_slice %arg2[%mul3A_2, %dma_wait3A_37] : memref<128x32768xf32, #tpu.memory_space<hbm>> -> memref<1x16384xf32, #tpu.memory_space<hbm>>
    %dma_wait3A_39 = tpu.memref_squeeze %dma_wait3A_38 : memref<1x16384xf32, #tpu.memory_space<hbm>> -> memref<16384xf32, #tpu.memory_space<hbm>>
    tpu.wait_dma2 semaphore(%arg9 : memref<!tpu.dma_semaphore, #tpu.memory_space<semaphore_mem>>) src(%dma_wait3A_39 : memref<16384xf32, #tpu.memory_space<hbm>>) dst(%dma_wait3A_36 : memref<16384xf32, #tpu.memory_space<vmem>>)
    %parallel_loop3A = arith.constant 0 : i32
    %parallel_loop3A_40 = arith.constant 16384 : i32
    %parallel_loop3A_41 = arith.constant 16 : i32
    %parallel_loop3A_42 = scf.for %parallel_loop3A_238 = %parallel_loop3A to %parallel_loop3A_40 step %parallel_loop3A_41 iter_args(%parallel_loop3A_239 = %broadcast_in_dim3A_3) -> (vector<16xf32>)  : i32 {
      %parallel_loop3A_240 = arith.index_cast %parallel_loop3A_238 : i32 to index
      %parallel_loop3A_241 = tpu.vector_load %arg5[%parallel_loop3A_240] {strides = array<i32>} : memref<32768xf32, #tpu.memory_space<vmem>>, vector<16xf32>,
      %parallel_loop3A_242 = arith.constant 6.270000e-02 : f32
      %parallel_loop3A_243 = vector.broadcast %parallel_loop3A_242 : f32 to vector<16xf32>
      %parallel_loop3A_244 = arith.divf %parallel_loop3A_241, %parallel_loop3A_243 : vector<16xf32>
      %parallel_loop3A_245 = arith.constant 0.000000e+00 : f32
      %parallel_loop3A_246 = arith.constant 2.550000e+02 : f32
      %parallel_loop3A_247 = vector.broadcast %parallel_loop3A_245 : f32 to vector<16xf32>
      %parallel_loop3A_248 = arith.maximumf %parallel_loop3A_247, %parallel_loop3A_244 : vector<16xf32>
      %parallel_loop3A_249 = vector.broadcast %parallel_loop3A_246 : f32 to vector<16xf32>
      %parallel_loop3A_250 = arith.minimumf %parallel_loop3A_249, %parallel_loop3A_248 : vector<16xf32>
      %parallel_loop3A_251 = arith.fptosi %parallel_loop3A_250 : vector<16xf32> to vector<16xi32>
      %parallel_loop3A_252 = tpu.vector_load_idx %arg8[%parallel_loop3A_251] : memref<256xf32, #tpu.memory_space<vmem>>[vector<16xi32>], vector<16xf32>,
      %parallel_loop3A_253 = arith.index_cast %parallel_loop3A_238 : i32 to index
      %parallel_loop3A_254 = tpu.vector_load %arg5[%parallel_loop3A_253] {strides = array<i32>} : memref<32768xf32, #tpu.memory_space<vmem>>, vector<16xf32>,
      tpu.vector_store %arg5[%parallel_loop3A_253], %parallel_loop3A_252 {strides = array<i32>} : memref<32768xf32, #tpu.memory_space<vmem>>, vector<16xf32>,
      %parallel_loop3A_255 = arith.addf %parallel_loop3A_239, %parallel_loop3A_252 : vector<16xf32>
      scf.yield %parallel_loop3A_255 : vector<16xf32>
    } {sc.loop_unroll_factor = 8 : i64, sc.parallel_access}
    %dma_wait3A_43 = arith.constant 16384 : i32
    %dma_wait3A_44 = tpu.memref_slice %arg5[%dma_wait3A_43] : memref<32768xf32, #tpu.memory_space<vmem>> -> memref<16384xf32, #tpu.memory_space<vmem>>
    %dma_wait3A_45 = arith.constant 16384 : i32
    %dma_wait3A_46 = tpu.memref_slice %arg2[%mul3A_2, %dma_wait3A_45] : memref<128x32768xf32, #tpu.memory_space<hbm>> -> memref<1x16384xf32, #tpu.memory_space<hbm>>
    %dma_wait3A_47 = tpu.memref_squeeze %dma_wait3A_46 : memref<1x16384xf32, #tpu.memory_space<hbm>> -> memref<16384xf32, #tpu.memory_space<hbm>>
    %dma_wait3A_48 = arith.constant 16384 : i32
    %dma_wait3A_49 = tpu.memref_slice %arg5[%dma_wait3A_48] : memref<32768xf32, #tpu.memory_space<vmem>> -> memref<16384xf32, #tpu.memory_space<vmem>>
    %dma_wait3A_50 = arith.constant 16384 : i32
    %dma_wait3A_51 = tpu.memref_slice %arg2[%mul3A_2, %dma_wait3A_50] : memref<128x32768xf32, #tpu.memory_space<hbm>> -> memref<1x16384xf32, #tpu.memory_space<hbm>>
    %dma_wait3A_52 = tpu.memref_squeeze %dma_wait3A_51 : memref<1x16384xf32, #tpu.memory_space<hbm>> -> memref<16384xf32, #tpu.memory_space<hbm>>
    tpu.wait_dma2 semaphore(%arg13 : memref<!tpu.dma_semaphore, #tpu.memory_space<semaphore_mem>>) src(%dma_wait3A_52 : memref<16384xf32, #tpu.memory_space<hbm>>) dst(%dma_wait3A_49 : memref<16384xf32, #tpu.memory_space<vmem>>)
    %parallel_loop3A_53 = arith.constant 16384 : i32
    %parallel_loop3A_54 = arith.constant 32768 : i32
    %parallel_loop3A_55 = arith.constant 16 : i32
    %parallel_loop3A_56 = scf.for %parallel_loop3A_238 = %parallel_loop3A_53 to %parallel_loop3A_54 step %parallel_loop3A_55 iter_args(%parallel_loop3A_239 = %parallel_loop3A_42) -> (vector<16xf32>)  : i32 {
      %parallel_loop3A_240 = arith.index_cast %parallel_loop3A_238 : i32 to index
      %parallel_loop3A_241 = tpu.vector_load %arg5[%parallel_loop3A_240] {strides = array<i32>} : memref<32768xf32, #tpu.memory_space<vmem>>, vector<16xf32>,
      %parallel_loop3A_242 = arith.constant 6.270000e-02 : f32
      %parallel_loop3A_243 = vector.broadcast %parallel_loop3A_242 : f32 to vector<16xf32>
      %parallel_loop3A_244 = arith.divf %parallel_loop3A_241, %parallel_loop3A_243 : vector<16xf32>
      %parallel_loop3A_245 = arith.constant 0.000000e+00 : f32
      %parallel_loop3A_246 = arith.constant 2.550000e+02 : f32
      %parallel_loop3A_247 = vector.broadcast %parallel_loop3A_245 : f32 to vector<16xf32>
      %parallel_loop3A_248 = arith.maximumf %parallel_loop3A_247, %parallel_loop3A_244 : vector<16xf32>
      %parallel_loop3A_249 = vector.broadcast %parallel_loop3A_246 : f32 to vector<16xf32>
      %parallel_loop3A_250 = arith.minimumf %parallel_loop3A_249, %parallel_loop3A_248 : vector<16xf32>
      %parallel_loop3A_251 = arith.fptosi %parallel_loop3A_250 : vector<16xf32> to vector<16xi32>
      %parallel_loop3A_252 = tpu.vector_load_idx %arg8[%parallel_loop3A_251] : memref<256xf32, #tpu.memory_space<vmem>>[vector<16xi32>], vector<16xf32>,
      %parallel_loop3A_253 = arith.index_cast %parallel_loop3A_238 : i32 to index
      %parallel_loop3A_254 = tpu.vector_load %arg5[%parallel_loop3A_253] {strides = array<i32>} : memref<32768xf32, #tpu.memory_space<vmem>>, vector<16xf32>,
      tpu.vector_store %arg5[%parallel_loop3A_253], %parallel_loop3A_252 {strides = array<i32>} : memref<32768xf32, #tpu.memory_space<vmem>>, vector<16xf32>,
      %parallel_loop3A_255 = arith.addf %parallel_loop3A_239, %parallel_loop3A_252 : vector<16xf32>
      scf.yield %parallel_loop3A_255 : vector<16xf32>
    } {sc.loop_unroll_factor = 8 : i64, sc.parallel_access}
    %reduce_sum3A = arith.constant true
    %reduce_sum3A_57 = vector.broadcast %reduce_sum3A : i1 to vector<16xi1>
    %reduce_sum3A_58 = tpu.scan <sum>, %parallel_loop3A_56 masked %reduce_sum3A_57 : vector<16xf32>, vector<16xi1> -> vector<16xf32>
    %reduce_sum3A_59 = vector.extract %reduce_sum3A_58[15] : f32 from vector<16xf32>
    %broadcast_in_dim3A_60 = vector.broadcast %reduce_sum3A_59 : f32 to vector<16xf32>
    %broadcast_in_dim3A_61 = arith.constant 1.000000e+00 : f32
    %broadcast_in_dim3A_62 = vector.broadcast %broadcast_in_dim3A_61 : f32 to vector<16xf32>
    %div3A = arith.divf %broadcast_in_dim3A_62, %broadcast_in_dim3A_60 : vector<16xf32>
    %add3A_63 = arith.constant 0 : i32
    %add3A_64 = arith.addi %mul3A_2, %add3A_63 : i32
    %add3A_65 = arith.constant 2 : i32
    %add3A_66 = arith.addi %add3A_64, %add3A_65 : i32
    %dma_start3A_67 = arith.constant 0 : i32
    %dma_start3A_68 = tpu.memref_slice %arg2[%add3A_66, %dma_start3A_67] : memref<128x32768xf32, #tpu.memory_space<hbm>> -> memref<1x32768xf32, #tpu.memory_space<hbm>>
    %dma_start3A_69 = tpu.memref_squeeze %dma_start3A_68 : memref<1x32768xf32, #tpu.memory_space<hbm>> -> memref<32768xf32, #tpu.memory_space<hbm>>
    %dma_start3A_70 = arith.constant 0 : i32
    %dma_start3A_71 = tpu.memref_slice %arg2[%add3A_66, %dma_start3A_70] : memref<128x32768xf32, #tpu.memory_space<hbm>> -> memref<1x32768xf32, #tpu.memory_space<hbm>>
    %dma_start3A_72 = tpu.memref_squeeze %dma_start3A_71 : memref<1x32768xf32, #tpu.memory_space<hbm>> -> memref<32768xf32, #tpu.memory_space<hbm>>
    tpu.enqueue_dma source(%dma_start3A_72 : memref<32768xf32, #tpu.memory_space<hbm>>) target(%arg7 : memref<32768xf32, #tpu.memory_space<vmem>>) target_semaphore(%arg11 : memref<!tpu.dma_semaphore, #tpu.memory_space<semaphore_mem>>)
    %parallel_loop3A_73 = arith.constant 0 : i32
    %parallel_loop3A_74 = arith.constant 32768 : i32
    %parallel_loop3A_75 = arith.constant 16 : i32
    scf.for %parallel_loop3A_238 = %parallel_loop3A_73 to %parallel_loop3A_74 step %parallel_loop3A_75  : i32 {
      %parallel_loop3A_239 = arith.index_cast %parallel_loop3A_238 : i32 to index
      %parallel_loop3A_240 = tpu.vector_load %arg5[%parallel_loop3A_239] {strides = array<i32>} : memref<32768xf32, #tpu.memory_space<vmem>>, vector<16xf32>,
      %parallel_loop3A_241 = arith.mulf %parallel_loop3A_240, %div3A : vector<16xf32>
      %parallel_loop3A_242 = arith.index_cast %parallel_loop3A_238 : i32 to index
      %parallel_loop3A_243 = tpu.vector_load %arg5[%parallel_loop3A_242] {strides = array<i32>} : memref<32768xf32, #tpu.memory_space<vmem>>, vector<16xf32>,
      tpu.vector_store %arg5[%parallel_loop3A_242], %parallel_loop3A_241 {strides = array<i32>} : memref<32768xf32, #tpu.memory_space<vmem>>, vector<16xf32>,
    } {sc.loop_unroll_factor = 8 : i64, sc.parallel_access}
    %add3A_76 = arith.constant 0 : i32
    %add3A_77 = arith.addi %mul3A_2, %add3A_76 : i32
    %dma_start3A_78 = arith.constant 0 : i32
    %dma_start3A_79 = tpu.memref_slice %arg4[%add3A_77, %dma_start3A_78] : memref<128x32768xf32, #tpu.memory_space<hbm>> -> memref<1x32768xf32, #tpu.memory_space<hbm>>
    %dma_start3A_80 = tpu.memref_squeeze %dma_start3A_79 : memref<1x32768xf32, #tpu.memory_space<hbm>> -> memref<32768xf32, #tpu.memory_space<hbm>>
    %dma_start3A_81 = arith.constant 0 : i32
    %dma_start3A_82 = tpu.memref_slice %arg4[%add3A_77, %dma_start3A_81] : memref<128x32768xf32, #tpu.memory_space<hbm>> -> memref<1x32768xf32, #tpu.memory_space<hbm>>
    %dma_start3A_83 = tpu.memref_squeeze %dma_start3A_82 : memref<1x32768xf32, #tpu.memory_space<hbm>> -> memref<32768xf32, #tpu.memory_space<hbm>>
    tpu.enqueue_dma source(%arg5 : memref<32768xf32, #tpu.memory_space<vmem>>) target(%dma_start3A_83 : memref<32768xf32, #tpu.memory_space<hbm>>) target_semaphore(%arg12 : memref<!tpu.dma_semaphore, #tpu.memory_space<semaphore_mem>>)
    %dma_wait3A_84 = arith.constant 0 : i32
    %dma_wait3A_85 = tpu.memref_slice %arg2[%add3A_24, %dma_wait3A_84] : memref<128x32768xf32, #tpu.memory_space<hbm>> -> memref<1x32768xf32, #tpu.memory_space<hbm>>
    %dma_wait3A_86 = tpu.memref_squeeze %dma_wait3A_85 : memref<1x32768xf32, #tpu.memory_space<hbm>> -> memref<32768xf32, #tpu.memory_space<hbm>>
    %dma_wait3A_87 = arith.constant 0 : i32
    %dma_wait3A_88 = tpu.memref_slice %arg2[%add3A_24, %dma_wait3A_87] : memref<128x32768xf32, #tpu.memory_space<hbm>> -> memref<1x32768xf32, #tpu.memory_space<hbm>>
    %dma_wait3A_89 = tpu.memref_squeeze %dma_wait3A_88 : memref<1x32768xf32, #tpu.memory_space<hbm>> -> memref<32768xf32, #tpu.memory_space<hbm>>
    tpu.wait_dma2 semaphore(%arg10 : memref<!tpu.dma_semaphore, #tpu.memory_space<semaphore_mem>>) src(%dma_wait3A_89 : memref<32768xf32, #tpu.memory_space<hbm>>) dst(%arg6 : memref<32768xf32, #tpu.memory_space<vmem>>)
    %parallel_loop3A_90 = arith.constant 0 : i32
    %parallel_loop3A_91 = arith.constant 32768 : i32
    %parallel_loop3A_92 = arith.constant 16 : i32
    %parallel_loop3A_93 = scf.for %parallel_loop3A_238 = %parallel_loop3A_90 to %parallel_loop3A_91 step %parallel_loop3A_92 iter_args(%parallel_loop3A_239 = %broadcast_in_dim3A_3) -> (vector<16xf32>)  : i32 {
      %parallel_loop3A_240 = arith.index_cast %parallel_loop3A_238 : i32 to index
      %parallel_loop3A_241 = tpu.vector_load %arg6[%parallel_loop3A_240] {strides = array<i32>} : memref<32768xf32, #tpu.memory_space<vmem>>, vector<16xf32>,
      %parallel_loop3A_242 = arith.constant 6.270000e-02 : f32
      %parallel_loop3A_243 = vector.broadcast %parallel_loop3A_242 : f32 to vector<16xf32>
      %parallel_loop3A_244 = arith.divf %parallel_loop3A_241, %parallel_loop3A_243 : vector<16xf32>
      %parallel_loop3A_245 = arith.constant 0.000000e+00 : f32
      %parallel_loop3A_246 = arith.constant 2.550000e+02 : f32
      %parallel_loop3A_247 = vector.broadcast %parallel_loop3A_245 : f32 to vector<16xf32>
      %parallel_loop3A_248 = arith.maximumf %parallel_loop3A_247, %parallel_loop3A_244 : vector<16xf32>
      %parallel_loop3A_249 = vector.broadcast %parallel_loop3A_246 : f32 to vector<16xf32>
      %parallel_loop3A_250 = arith.minimumf %parallel_loop3A_249, %parallel_loop3A_248 : vector<16xf32>
      %parallel_loop3A_251 = arith.fptosi %parallel_loop3A_250 : vector<16xf32> to vector<16xi32>
      %parallel_loop3A_252 = tpu.vector_load_idx %arg8[%parallel_loop3A_251] : memref<256xf32, #tpu.memory_space<vmem>>[vector<16xi32>], vector<16xf32>,
      %parallel_loop3A_253 = arith.index_cast %parallel_loop3A_238 : i32 to index
      %parallel_loop3A_254 = tpu.vector_load %arg6[%parallel_loop3A_253] {strides = array<i32>} : memref<32768xf32, #tpu.memory_space<vmem>>, vector<16xf32>,
      tpu.vector_store %arg6[%parallel_loop3A_253], %parallel_loop3A_252 {strides = array<i32>} : memref<32768xf32, #tpu.memory_space<vmem>>, vector<16xf32>,
      %parallel_loop3A_255 = arith.addf %parallel_loop3A_239, %parallel_loop3A_252 : vector<16xf32>
      scf.yield %parallel_loop3A_255 : vector<16xf32>
    } {sc.loop_unroll_factor = 8 : i64, sc.parallel_access}
    %reduce_sum3A_94 = arith.constant true
    %reduce_sum3A_95 = vector.broadcast %reduce_sum3A_94 : i1 to vector<16xi1>
    %reduce_sum3A_96 = tpu.scan <sum>, %parallel_loop3A_93 masked %reduce_sum3A_95 : vector<16xf32>, vector<16xi1> -> vector<16xf32>
    %reduce_sum3A_97 = vector.extract %reduce_sum3A_96[15] : f32 from vector<16xf32>
    %broadcast_in_dim3A_98 = vector.broadcast %reduce_sum3A_97 : f32 to vector<16xf32>
    %broadcast_in_dim3A_99 = arith.constant 1.000000e+00 : f32
    %broadcast_in_dim3A_100 = vector.broadcast %broadcast_in_dim3A_99 : f32 to vector<16xf32>
    %div3A_101 = arith.divf %broadcast_in_dim3A_100, %broadcast_in_dim3A_98 : vector<16xf32>
    %dma_wait3A_102 = arith.constant 0 : i32
    %dma_wait3A_103 = tpu.memref_slice %arg4[%add3A_77, %dma_wait3A_102] : memref<128x32768xf32, #tpu.memory_space<hbm>> -> memref<1x32768xf32, #tpu.memory_space<hbm>>
    %dma_wait3A_104 = tpu.memref_squeeze %dma_wait3A_103 : memref<1x32768xf32, #tpu.memory_space<hbm>> -> memref<32768xf32, #tpu.memory_space<hbm>>
    %dma_wait3A_105 = arith.constant 0 : i32
    %dma_wait3A_106 = tpu.memref_slice %arg4[%add3A_77, %dma_wait3A_105] : memref<128x32768xf32, #tpu.memory_space<hbm>> -> memref<1x32768xf32, #tpu.memory_space<hbm>>
    %dma_wait3A_107 = tpu.memref_squeeze %dma_wait3A_106 : memref<1x32768xf32, #tpu.memory_space<hbm>> -> memref<32768xf32, #tpu.memory_space<hbm>>
    tpu.wait_dma2 semaphore(%arg12 : memref<!tpu.dma_semaphore, #tpu.memory_space<semaphore_mem>>) src(%arg5 : memref<32768xf32, #tpu.memory_space<vmem>>) dst(%dma_wait3A_107 : memref<32768xf32, #tpu.memory_space<hbm>>)
    %add3A_108 = arith.constant 1 : i32
    %add3A_109 = arith.addi %mul3A_2, %add3A_108 : i32
    %add3A_110 = arith.constant 2 : i32
    %add3A_111 = arith.addi %add3A_109, %add3A_110 : i32
    %dma_start3A_112 = arith.constant 0 : i32
    %dma_start3A_113 = tpu.memref_slice %arg2[%add3A_111, %dma_start3A_112] : memref<128x32768xf32, #tpu.memory_space<hbm>> -> memref<1x32768xf32, #tpu.memory_space<hbm>>
    %dma_start3A_114 = tpu.memref_squeeze %dma_start3A_113 : memref<1x32768xf32, #tpu.memory_space<hbm>> -> memref<32768xf32, #tpu.memory_space<hbm>>
    %dma_start3A_115 = arith.constant 0 : i32
    %dma_start3A_116 = tpu.memref_slice %arg2[%add3A_111, %dma_start3A_115] : memref<128x32768xf32, #tpu.memory_space<hbm>> -> memref<1x32768xf32, #tpu.memory_space<hbm>>
    %dma_start3A_117 = tpu.memref_squeeze %dma_start3A_116 : memref<1x32768xf32, #tpu.memory_space<hbm>> -> memref<32768xf32, #tpu.memory_space<hbm>>
    tpu.enqueue_dma source(%dma_start3A_117 : memref<32768xf32, #tpu.memory_space<hbm>>) target(%arg5 : memref<32768xf32, #tpu.memory_space<vmem>>) target_semaphore(%arg9 : memref<!tpu.dma_semaphore, #tpu.memory_space<semaphore_mem>>)
    %parallel_loop3A_118 = arith.constant 0 : i32
    %parallel_loop3A_119 = arith.constant 32768 : i32
    %parallel_loop3A_120 = arith.constant 16 : i32
    scf.for %parallel_loop3A_238 = %parallel_loop3A_118 to %parallel_loop3A_119 step %parallel_loop3A_120  : i32 {
      %parallel_loop3A_239 = arith.index_cast %parallel_loop3A_238 : i32 to index
      %parallel_loop3A_240 = tpu.vector_load %arg6[%parallel_loop3A_239] {strides = array<i32>} : memref<32768xf32, #tpu.memory_space<vmem>>, vector<16xf32>,
      %parallel_loop3A_241 = arith.mulf %parallel_loop3A_240, %div3A_101 : vector<16xf32>
      %parallel_loop3A_242 = arith.index_cast %parallel_loop3A_238 : i32 to index
      %parallel_loop3A_243 = tpu.vector_load %arg6[%parallel_loop3A_242] {strides = array<i32>} : memref<32768xf32, #tpu.memory_space<vmem>>, vector<16xf32>,
      tpu.vector_store %arg6[%parallel_loop3A_242], %parallel_loop3A_241 {strides = array<i32>} : memref<32768xf32, #tpu.memory_space<vmem>>, vector<16xf32>,
    } {sc.loop_unroll_factor = 8 : i64, sc.parallel_access}
    %add3A_121 = arith.constant 1 : i32
    %add3A_122 = arith.addi %mul3A_2, %add3A_121 : i32
    %dma_start3A_123 = arith.constant 0 : i32
    %dma_start3A_124 = tpu.memref_slice %arg4[%add3A_122, %dma_start3A_123] : memref<128x32768xf32, #tpu.memory_space<hbm>> -> memref<1x32768xf32, #tpu.memory_space<hbm>>
    %dma_start3A_125 = tpu.memref_squeeze %dma_start3A_124 : memref<1x32768xf32, #tpu.memory_space<hbm>> -> memref<32768xf32, #tpu.memory_space<hbm>>
    %dma_start3A_126 = arith.constant 0 : i32
    %dma_start3A_127 = tpu.memref_slice %arg4[%add3A_122, %dma_start3A_126] : memref<128x32768xf32, #tpu.memory_space<hbm>> -> memref<1x32768xf32, #tpu.memory_space<hbm>>
    %dma_start3A_128 = tpu.memref_squeeze %dma_start3A_127 : memref<1x32768xf32, #tpu.memory_space<hbm>> -> memref<32768xf32, #tpu.memory_space<hbm>>
    tpu.enqueue_dma source(%arg6 : memref<32768xf32, #tpu.memory_space<vmem>>) target(%dma_start3A_128 : memref<32768xf32, #tpu.memory_space<hbm>>) target_semaphore(%arg13 : memref<!tpu.dma_semaphore, #tpu.memory_space<semaphore_mem>>)
    %dma_wait3A_129 = arith.constant 0 : i32
    %dma_wait3A_130 = tpu.memref_slice %arg2[%add3A_66, %dma_wait3A_129] : memref<128x32768xf32, #tpu.memory_space<hbm>> -> memref<1x32768xf32, #tpu.memory_space<hbm>>
    %dma_wait3A_131 = tpu.memref_squeeze %dma_wait3A_130 : memref<1x32768xf32, #tpu.memory_space<hbm>> -> memref<32768xf32, #tpu.memory_space<hbm>>
    %dma_wait3A_132 = arith.constant 0 : i32
    %dma_wait3A_133 = tpu.memref_slice %arg2[%add3A_66, %dma_wait3A_132] : memref<128x32768xf32, #tpu.memory_space<hbm>> -> memref<1x32768xf32, #tpu.memory_space<hbm>>
    %dma_wait3A_134 = tpu.memref_squeeze %dma_wait3A_133 : memref<1x32768xf32, #tpu.memory_space<hbm>> -> memref<32768xf32, #tpu.memory_space<hbm>>
    tpu.wait_dma2 semaphore(%arg11 : memref<!tpu.dma_semaphore, #tpu.memory_space<semaphore_mem>>) src(%dma_wait3A_134 : memref<32768xf32, #tpu.memory_space<hbm>>) dst(%arg7 : memref<32768xf32, #tpu.memory_space<vmem>>)
    %parallel_loop3A_135 = arith.constant 0 : i32
    %parallel_loop3A_136 = arith.constant 32768 : i32
    %parallel_loop3A_137 = arith.constant 16 : i32
    %parallel_loop3A_138 = scf.for %parallel_loop3A_238 = %parallel_loop3A_135 to %parallel_loop3A_136 step %parallel_loop3A_137 iter_args(%parallel_loop3A_239 = %broadcast_in_dim3A_3) -> (vector<16xf32>)  : i32 {
      %parallel_loop3A_240 = arith.index_cast %parallel_loop3A_238 : i32 to index
      %parallel_loop3A_241 = tpu.vector_load %arg7[%parallel_loop3A_240] {strides = array<i32>} : memref<32768xf32, #tpu.memory_space<vmem>>, vector<16xf32>,
      %parallel_loop3A_242 = arith.constant 6.270000e-02 : f32
      %parallel_loop3A_243 = vector.broadcast %parallel_loop3A_242 : f32 to vector<16xf32>
      %parallel_loop3A_244 = arith.divf %parallel_loop3A_241, %parallel_loop3A_243 : vector<16xf32>
      %parallel_loop3A_245 = arith.constant 0.000000e+00 : f32
      %parallel_loop3A_246 = arith.constant 2.550000e+02 : f32
      %parallel_loop3A_247 = vector.broadcast %parallel_loop3A_245 : f32 to vector<16xf32>
      %parallel_loop3A_248 = arith.maximumf %parallel_loop3A_247, %parallel_loop3A_244 : vector<16xf32>
      %parallel_loop3A_249 = vector.broadcast %parallel_loop3A_246 : f32 to vector<16xf32>
      %parallel_loop3A_250 = arith.minimumf %parallel_loop3A_249, %parallel_loop3A_248 : vector<16xf32>
      %parallel_loop3A_251 = arith.fptosi %parallel_loop3A_250 : vector<16xf32> to vector<16xi32>
      %parallel_loop3A_252 = tpu.vector_load_idx %arg8[%parallel_loop3A_251] : memref<256xf32, #tpu.memory_space<vmem>>[vector<16xi32>], vector<16xf32>,
      %parallel_loop3A_253 = arith.index_cast %parallel_loop3A_238 : i32 to index
      %parallel_loop3A_254 = tpu.vector_load %arg7[%parallel_loop3A_253] {strides = array<i32>} : memref<32768xf32, #tpu.memory_space<vmem>>, vector<16xf32>,
      tpu.vector_store %arg7[%parallel_loop3A_253], %parallel_loop3A_252 {strides = array<i32>} : memref<32768xf32, #tpu.memory_space<vmem>>, vector<16xf32>,
      %parallel_loop3A_255 = arith.addf %parallel_loop3A_239, %parallel_loop3A_252 : vector<16xf32>
      scf.yield %parallel_loop3A_255 : vector<16xf32>
    } {sc.loop_unroll_factor = 8 : i64, sc.parallel_access}
    %reduce_sum3A_139 = arith.constant true
    %reduce_sum3A_140 = vector.broadcast %reduce_sum3A_139 : i1 to vector<16xi1>
    %reduce_sum3A_141 = tpu.scan <sum>, %parallel_loop3A_138 masked %reduce_sum3A_140 : vector<16xf32>, vector<16xi1> -> vector<16xf32>
    %reduce_sum3A_142 = vector.extract %reduce_sum3A_141[15] : f32 from vector<16xf32>
    %broadcast_in_dim3A_143 = vector.broadcast %reduce_sum3A_142 : f32 to vector<16xf32>
    %broadcast_in_dim3A_144 = arith.constant 1.000000e+00 : f32
    %broadcast_in_dim3A_145 = vector.broadcast %broadcast_in_dim3A_144 : f32 to vector<16xf32>
    %div3A_146 = arith.divf %broadcast_in_dim3A_145, %broadcast_in_dim3A_143 : vector<16xf32>
    %dma_wait3A_147 = arith.constant 0 : i32
    %dma_wait3A_148 = tpu.memref_slice %arg4[%add3A_122, %dma_wait3A_147] : memref<128x32768xf32, #tpu.memory_space<hbm>> -> memref<1x32768xf32, #tpu.memory_space<hbm>>
    %dma_wait3A_149 = tpu.memref_squeeze %dma_wait3A_148 : memref<1x32768xf32, #tpu.memory_space<hbm>> -> memref<32768xf32, #tpu.memory_space<hbm>>
    %dma_wait3A_150 = arith.constant 0 : i32
    %dma_wait3A_151 = tpu.memref_slice %arg4[%add3A_122, %dma_wait3A_150] : memref<128x32768xf32, #tpu.memory_space<hbm>> -> memref<1x32768xf32, #tpu.memory_space<hbm>>
    %dma_wait3A_152 = tpu.memref_squeeze %dma_wait3A_151 : memref<1x32768xf32, #tpu.memory_space<hbm>> -> memref<32768xf32, #tpu.memory_space<hbm>>
    tpu.wait_dma2 semaphore(%arg13 : memref<!tpu.dma_semaphore, #tpu.memory_space<semaphore_mem>>) src(%arg6 : memref<32768xf32, #tpu.memory_space<vmem>>) dst(%dma_wait3A_152 : memref<32768xf32, #tpu.memory_space<hbm>>)
    %parallel_loop3A_153 = arith.constant 0 : i32
    %parallel_loop3A_154 = arith.constant 32768 : i32
    %parallel_loop3A_155 = arith.constant 16 : i32
    scf.for %parallel_loop3A_238 = %parallel_loop3A_153 to %parallel_loop3A_154 step %parallel_loop3A_155  : i32 {
      %parallel_loop3A_239 = arith.index_cast %parallel_loop3A_238 : i32 to index
      %parallel_loop3A_240 = tpu.vector_load %arg7[%parallel_loop3A_239] {strides = array<i32>} : memref<32768xf32, #tpu.memory_space<vmem>>, vector<16xf32>,
      %parallel_loop3A_241 = arith.mulf %parallel_loop3A_240, %div3A_146 : vector<16xf32>
      %parallel_loop3A_242 = arith.index_cast %parallel_loop3A_238 : i32 to index
      %parallel_loop3A_243 = tpu.vector_load %arg7[%parallel_loop3A_242] {strides = array<i32>} : memref<32768xf32, #tpu.memory_space<vmem>>, vector<16xf32>,
      tpu.vector_store %arg7[%parallel_loop3A_242], %parallel_loop3A_241 {strides = array<i32>} : memref<32768xf32, #tpu.memory_space<vmem>>, vector<16xf32>,
    } {sc.loop_unroll_factor = 8 : i64, sc.parallel_access}
    %add3A_156 = arith.constant 2 : i32
    %add3A_157 = arith.addi %mul3A_2, %add3A_156 : i32
    %dma_start3A_158 = arith.constant 0 : i32
    %dma_start3A_159 = tpu.memref_slice %arg4[%add3A_157, %dma_start3A_158] : memref<128x32768xf32, #tpu.memory_space<hbm>> -> memref<1x32768xf32, #tpu.memory_space<hbm>>
    %dma_start3A_160 = tpu.memref_squeeze %dma_start3A_159 : memref<1x32768xf32, #tpu.memory_space<hbm>> -> memref<32768xf32, #tpu.memory_space<hbm>>
    %dma_start3A_161 = arith.constant 0 : i32
    %dma_start3A_162 = tpu.memref_slice %arg4[%add3A_157, %dma_start3A_161] : memref<128x32768xf32, #tpu.memory_space<hbm>> -> memref<1x32768xf32, #tpu.memory_space<hbm>>
    %dma_start3A_163 = tpu.memref_squeeze %dma_start3A_162 : memref<1x32768xf32, #tpu.memory_space<hbm>> -> memref<32768xf32, #tpu.memory_space<hbm>>
    tpu.enqueue_dma source(%arg7 : memref<32768xf32, #tpu.memory_space<vmem>>) target(%dma_start3A_163 : memref<32768xf32, #tpu.memory_space<hbm>>) target_semaphore(%arg14 : memref<!tpu.dma_semaphore, #tpu.memory_space<semaphore_mem>>)
    %dma_wait3A_164 = arith.constant 0 : i32
    %dma_wait3A_165 = tpu.memref_slice %arg2[%add3A_111, %dma_wait3A_164] : memref<128x32768xf32, #tpu.memory_space<hbm>> -> memref<1x32768xf32, #tpu.memory_space<hbm>>
    %dma_wait3A_166 = tpu.memref_squeeze %dma_wait3A_165 : memref<1x32768xf32, #tpu.memory_space<hbm>> -> memref<32768xf32, #tpu.memory_space<hbm>>
    %dma_wait3A_167 = arith.constant 0 : i32
    %dma_wait3A_168 = tpu.memref_slice %arg2[%add3A_111, %dma_wait3A_167] : memref<128x32768xf32, #tpu.memory_space<hbm>> -> memref<1x32768xf32, #tpu.memory_space<hbm>>
    %dma_wait3A_169 = tpu.memref_squeeze %dma_wait3A_168 : memref<1x32768xf32, #tpu.memory_space<hbm>> -> memref<32768xf32, #tpu.memory_space<hbm>>
    tpu.wait_dma2 semaphore(%arg9 : memref<!tpu.dma_semaphore, #tpu.memory_space<semaphore_mem>>) src(%dma_wait3A_169 : memref<32768xf32, #tpu.memory_space<hbm>>) dst(%arg5 : memref<32768xf32, #tpu.memory_space<vmem>>)
    %parallel_loop3A_170 = arith.constant 0 : i32
    %parallel_loop3A_171 = arith.constant 32768 : i32
    %parallel_loop3A_172 = arith.constant 16 : i32
    %parallel_loop3A_173 = scf.for %parallel_loop3A_238 = %parallel_loop3A_170 to %parallel_loop3A_171 step %parallel_loop3A_172 iter_args(%parallel_loop3A_239 = %broadcast_in_dim3A_3) -> (vector<16xf32>)  : i32 {
      %parallel_loop3A_240 = arith.index_cast %parallel_loop3A_238 : i32 to index
      %parallel_loop3A_241 = tpu.vector_load %arg5[%parallel_loop3A_240] {strides = array<i32>} : memref<32768xf32, #tpu.memory_space<vmem>>, vector<16xf32>,
      %parallel_loop3A_242 = arith.constant 6.270000e-02 : f32
      %parallel_loop3A_243 = vector.broadcast %parallel_loop3A_242 : f32 to vector<16xf32>
      %parallel_loop3A_244 = arith.divf %parallel_loop3A_241, %parallel_loop3A_243 : vector<16xf32>
      %parallel_loop3A_245 = arith.constant 0.000000e+00 : f32
      %parallel_loop3A_246 = arith.constant 2.550000e+02 : f32
      %parallel_loop3A_247 = vector.broadcast %parallel_loop3A_245 : f32 to vector<16xf32>
      %parallel_loop3A_248 = arith.maximumf %parallel_loop3A_247, %parallel_loop3A_244 : vector<16xf32>
      %parallel_loop3A_249 = vector.broadcast %parallel_loop3A_246 : f32 to vector<16xf32>
      %parallel_loop3A_250 = arith.minimumf %parallel_loop3A_249, %parallel_loop3A_248 : vector<16xf32>
      %parallel_loop3A_251 = arith.fptosi %parallel_loop3A_250 : vector<16xf32> to vector<16xi32>
      %parallel_loop3A_252 = tpu.vector_load_idx %arg8[%parallel_loop3A_251] : memref<256xf32, #tpu.memory_space<vmem>>[vector<16xi32>], vector<16xf32>,
      %parallel_loop3A_253 = arith.index_cast %parallel_loop3A_238 : i32 to index
      %parallel_loop3A_254 = tpu.vector_load %arg5[%parallel_loop3A_253] {strides = array<i32>} : memref<32768xf32, #tpu.memory_space<vmem>>, vector<16xf32>,
      tpu.vector_store %arg5[%parallel_loop3A_253], %parallel_loop3A_252 {strides = array<i32>} : memref<32768xf32, #tpu.memory_space<vmem>>, vector<16xf32>,
      %parallel_loop3A_255 = arith.addf %parallel_loop3A_239, %parallel_loop3A_252 : vector<16xf32>
      scf.yield %parallel_loop3A_255 : vector<16xf32>
    } {sc.loop_unroll_factor = 8 : i64, sc.parallel_access}
    %reduce_sum3A_174 = arith.constant true
    %reduce_sum3A_175 = vector.broadcast %reduce_sum3A_174 : i1 to vector<16xi1>
    %reduce_sum3A_176 = tpu.scan <sum>, %parallel_loop3A_173 masked %reduce_sum3A_175 : vector<16xf32>, vector<16xi1> -> vector<16xf32>
    %reduce_sum3A_177 = vector.extract %reduce_sum3A_176[15] : f32 from vector<16xf32>
    %broadcast_in_dim3A_178 = vector.broadcast %reduce_sum3A_177 : f32 to vector<16xf32>
    %broadcast_in_dim3A_179 = arith.constant 1.000000e+00 : f32
    %broadcast_in_dim3A_180 = vector.broadcast %broadcast_in_dim3A_179 : f32 to vector<16xf32>
    %div3A_181 = arith.divf %broadcast_in_dim3A_180, %broadcast_in_dim3A_178 : vector<16xf32>
    %dma_wait3A_182 = arith.constant 0 : i32
    %dma_wait3A_183 = tpu.memref_slice %arg4[%add3A_157, %dma_wait3A_182] : memref<128x32768xf32, #tpu.memory_space<hbm>> -> memref<1x32768xf32, #tpu.memory_space<hbm>>
    %dma_wait3A_184 = tpu.memref_squeeze %dma_wait3A_183 : memref<1x32768xf32, #tpu.memory_space<hbm>> -> memref<32768xf32, #tpu.memory_space<hbm>>
    %dma_wait3A_185 = arith.constant 0 : i32
    %dma_wait3A_186 = tpu.memref_slice %arg4[%add3A_157, %dma_wait3A_185] : memref<128x32768xf32, #tpu.memory_space<hbm>> -> memref<1x32768xf32, #tpu.memory_space<hbm>>
    %dma_wait3A_187 = tpu.memref_squeeze %dma_wait3A_186 : memref<1x32768xf32, #tpu.memory_space<hbm>> -> memref<32768xf32, #tpu.memory_space<hbm>>
    tpu.wait_dma2 semaphore(%arg14 : memref<!tpu.dma_semaphore, #tpu.memory_space<semaphore_mem>>) src(%arg7 : memref<32768xf32, #tpu.memory_space<vmem>>) dst(%dma_wait3A_187 : memref<32768xf32, #tpu.memory_space<hbm>>)
    %parallel_loop3A_188 = arith.constant 0 : i32
    %parallel_loop3A_189 = arith.constant 16384 : i32
    %parallel_loop3A_190 = arith.constant 16 : i32
    scf.for %parallel_loop3A_238 = %parallel_loop3A_188 to %parallel_loop3A_189 step %parallel_loop3A_190  : i32 {
      %parallel_loop3A_239 = arith.index_cast %parallel_loop3A_238 : i32 to index
      %parallel_loop3A_240 = tpu.vector_load %arg5[%parallel_loop3A_239] {strides = array<i32>} : memref<32768xf32, #tpu.memory_space<vmem>>, vector<16xf32>,
      %parallel_loop3A_241 = arith.mulf %parallel_loop3A_240, %div3A_181 : vector<16xf32>
      %parallel_loop3A_242 = arith.index_cast %parallel_loop3A_238 : i32 to index
      %parallel_loop3A_243 = tpu.vector_load %arg5[%parallel_loop3A_242] {strides = array<i32>} : memref<32768xf32, #tpu.memory_space<vmem>>, vector<16xf32>,
      tpu.vector_store %arg5[%parallel_loop3A_242], %parallel_loop3A_241 {strides = array<i32>} : memref<32768xf32, #tpu.memory_space<vmem>>, vector<16xf32>,
    } {sc.loop_unroll_factor = 8 : i64, sc.parallel_access}
    %add3A_191 = arith.constant 3 : i32
    %add3A_192 = arith.addi %mul3A_2, %add3A_191 : i32
    %dma_start3A_193 = arith.constant 0 : i32
    %dma_start3A_194 = tpu.memref_slice %arg5[%dma_start3A_193] : memref<32768xf32, #tpu.memory_space<vmem>> -> memref<16384xf32, #tpu.memory_space<vmem>>
    %dma_start3A_195 = arith.constant 0 : i32
    %dma_start3A_196 = tpu.memref_slice %arg4[%add3A_192, %dma_start3A_195] : memref<128x32768xf32, #tpu.memory_space<hbm>> -> memref<1x16384xf32, #tpu.memory_space<hbm>>
    %dma_start3A_197 = tpu.memref_squeeze %dma_start3A_196 : memref<1x16384xf32, #tpu.memory_space<hbm>> -> memref<16384xf32, #tpu.memory_space<hbm>>
    %dma_start3A_198 = arith.constant 0 : i32
    %dma_start3A_199 = tpu.memref_slice %arg4[%add3A_192, %dma_start3A_198] : memref<128x32768xf32, #tpu.memory_space<hbm>> -> memref<1x16384xf32, #tpu.memory_space<hbm>>
    %dma_start3A_200 = tpu.memref_squeeze %dma_start3A_199 : memref<1x16384xf32, #tpu.memory_space<hbm>> -> memref<16384xf32, #tpu.memory_space<hbm>>
    %dma_start3A_201 = arith.constant 0 : i32
    %dma_start3A_202 = tpu.memref_slice %arg5[%dma_start3A_201] : memref<32768xf32, #tpu.memory_space<vmem>> -> memref<16384xf32, #tpu.memory_space<vmem>>
    tpu.enqueue_dma source(%dma_start3A_202 : memref<16384xf32, #tpu.memory_space<vmem>>) target(%dma_start3A_200 : memref<16384xf32, #tpu.memory_space<hbm>>) target_semaphore(%arg12 : memref<!tpu.dma_semaphore, #tpu.memory_space<semaphore_mem>>)
    %parallel_loop3A_203 = arith.constant 16384 : i32
    %parallel_loop3A_204 = arith.constant 32768 : i32
    %parallel_loop3A_205 = arith.constant 16 : i32
    scf.for %parallel_loop3A_238 = %parallel_loop3A_203 to %parallel_loop3A_204 step %parallel_loop3A_205  : i32 {
      %parallel_loop3A_239 = arith.index_cast %parallel_loop3A_238 : i32 to index
      %parallel_loop3A_240 = tpu.vector_load %arg5[%parallel_loop3A_239] {strides = array<i32>} : memref<32768xf32, #tpu.memory_space<vmem>>, vector<16xf32>,
      %parallel_loop3A_241 = arith.mulf %parallel_loop3A_240, %div3A_181 : vector<16xf32>
      %parallel_loop3A_242 = arith.index_cast %parallel_loop3A_238 : i32 to index
      %parallel_loop3A_243 = tpu.vector_load %arg5[%parallel_loop3A_242] {strides = array<i32>} : memref<32768xf32, #tpu.memory_space<vmem>>, vector<16xf32>,
      tpu.vector_store %arg5[%parallel_loop3A_242], %parallel_loop3A_241 {strides = array<i32>} : memref<32768xf32, #tpu.memory_space<vmem>>, vector<16xf32>,
    } {sc.loop_unroll_factor = 8 : i64, sc.parallel_access}
    %add3A_206 = arith.constant 3 : i32
    %add3A_207 = arith.addi %mul3A_2, %add3A_206 : i32
    %dma_start3A_208 = arith.constant 16384 : i32
    %dma_start3A_209 = tpu.memref_slice %arg5[%dma_start3A_208] : memref<32768xf32, #tpu.memory_space<vmem>> -> memref<16384xf32, #tpu.memory_space<vmem>>
    %dma_start3A_210 = arith.constant 16384 : i32
    %dma_start3A_211 = tpu.memref_slice %arg4[%add3A_207, %dma_start3A_210] : memref<128x32768xf32, #tpu.memory_space<hbm>> -> memref<1x16384xf32, #tpu.memory_space<hbm>>
    %dma_start3A_212 = tpu.memref_squeeze %dma_start3A_211 : memref<1x16384xf32, #tpu.memory_space<hbm>> -> memref<16384xf32, #tpu.memory_space<hbm>>
    %dma_start3A_213 = arith.constant 16384 : i32
    %dma_start3A_214 = tpu.memref_slice %arg4[%add3A_207, %dma_start3A_213] : memref<128x32768xf32, #tpu.memory_space<hbm>> -> memref<1x16384xf32, #tpu.memory_space<hbm>>
    %dma_start3A_215 = tpu.memref_squeeze %dma_start3A_214 : memref<1x16384xf32, #tpu.memory_space<hbm>> -> memref<16384xf32, #tpu.memory_space<hbm>>
    %dma_start3A_216 = arith.constant 16384 : i32
    %dma_start3A_217 = tpu.memref_slice %arg5[%dma_start3A_216] : memref<32768xf32, #tpu.memory_space<vmem>> -> memref<16384xf32, #tpu.memory_space<vmem>>
    tpu.enqueue_dma source(%dma_start3A_217 : memref<16384xf32, #tpu.memory_space<vmem>>) target(%dma_start3A_215 : memref<16384xf32, #tpu.memory_space<hbm>>) target_semaphore(%arg9 : memref<!tpu.dma_semaphore, #tpu.memory_space<semaphore_mem>>)
    %dma_wait3A_218 = arith.constant 0 : i32
    %dma_wait3A_219 = tpu.memref_slice %arg5[%dma_wait3A_218] : memref<32768xf32, #tpu.memory_space<vmem>> -> memref<16384xf32, #tpu.memory_space<vmem>>
    %dma_wait3A_220 = arith.constant 0 : i32
    %dma_wait3A_221 = tpu.memref_slice %arg4[%add3A_192, %dma_wait3A_220] : memref<128x32768xf32, #tpu.memory_space<hbm>> -> memref<1x16384xf32, #tpu.memory_space<hbm>>
    %dma_wait3A_222 = tpu.memref_squeeze %dma_wait3A_221 : memref<1x16384xf32, #tpu.memory_space<hbm>> -> memref<16384xf32, #tpu.memory_space<hbm>>
    %dma_wait3A_223 = arith.constant 0 : i32
    %dma_wait3A_224 = tpu.memref_slice %arg4[%add3A_192, %dma_wait3A_223] : memref<128x32768xf32, #tpu.memory_space<hbm>> -> memref<1x16384xf32, #tpu.memory_space<hbm>>
    %dma_wait3A_225 = tpu.memref_squeeze %dma_wait3A_224 : memref<1x16384xf32, #tpu.memory_space<hbm>> -> memref<16384xf32, #tpu.memory_space<hbm>>
    %dma_wait3A_226 = arith.constant 0 : i32
    %dma_wait3A_227 = tpu.memref_slice %arg5[%dma_wait3A_226] : memref<32768xf32, #tpu.memory_space<vmem>> -> memref<16384xf32, #tpu.memory_space<vmem>>
    tpu.wait_dma2 semaphore(%arg12 : memref<!tpu.dma_semaphore, #tpu.memory_space<semaphore_mem>>) src(%dma_wait3A_227 : memref<16384xf32, #tpu.memory_space<vmem>>) dst(%dma_wait3A_225 : memref<16384xf32, #tpu.memory_space<hbm>>)
    %dma_wait3A_228 = arith.constant 16384 : i32
    %dma_wait3A_229 = tpu.memref_slice %arg5[%dma_wait3A_228] : memref<32768xf32, #tpu.memory_space<vmem>> -> memref<16384xf32, #tpu.memory_space<vmem>>
    %dma_wait3A_230 = arith.constant 16384 : i32
    %dma_wait3A_231 = tpu.memref_slice %arg4[%add3A_207, %dma_wait3A_230] : memref<128x32768xf32, #tpu.memory_space<hbm>> -> memref<1x16384xf32, #tpu.memory_space<hbm>>
    %dma_wait3A_232 = tpu.memref_squeeze %dma_wait3A_231 : memref<1x16384xf32, #tpu.memory_space<hbm>> -> memref<16384xf32, #tpu.memory_space<hbm>>
    %dma_wait3A_233 = arith.constant 16384 : i32
    %dma_wait3A_234 = tpu.memref_slice %arg4[%add3A_207, %dma_wait3A_233] : memref<128x32768xf32, #tpu.memory_space<hbm>> -> memref<1x16384xf32, #tpu.memory_space<hbm>>
    %dma_wait3A_235 = tpu.memref_squeeze %dma_wait3A_234 : memref<1x16384xf32, #tpu.memory_space<hbm>> -> memref<16384xf32, #tpu.memory_space<hbm>>
    %dma_wait3A_236 = arith.constant 16384 : i32
    %dma_wait3A_237 = tpu.memref_slice %arg5[%dma_wait3A_236] : memref<32768xf32, #tpu.memory_space<vmem>> -> memref<16384xf32, #tpu.memory_space<vmem>>
    tpu.wait_dma2 semaphore(%arg9 : memref<!tpu.dma_semaphore, #tpu.memory_space<semaphore_mem>>) src(%dma_wait3A_237 : memref<16384xf32, #tpu.memory_space<vmem>>) dst(%dma_wait3A_235 : memref<16384xf32, #tpu.memory_space<hbm>>)
    return
  }
}

</mosaic_0001>

<sc_bundles>
// kernel: kernel.3.cloned.1.call-start
scs
__scs_entry_jumppad:
0x0: {  	(pc) =	sbr.rel $0x88, $3  }
0x1: {  	(tag) =	ssettag $0x0;
	lr =	simm.s32 $0x1  }
0x2: {  	[smem:$0x3F9F] =	sst lr;
	_ =	strace $0xD0000000  }
0x3: {  	_ = 	snop  }
0x4: {  	_ = 	snop  }
0x5: {  	_ = 	snop  }
0x6: {  	_ = 	snop  }
0x7: {  	_ = 	snop  }
__scs_overlays_trampoline_lowered:
0x8: {  	[smem:$0x3FAE] =	sst s0  }
0x9: {  	[smem:$0x3FAF] =	sst s1  }
0xa: {  	[smem:$0x3FB0] =	sst s2  }
0xb: {  	[smem:$0x3FB1] =	sst s3  }
0xc: {  	[smem:$0x3FB2] =	sst s4  }
0xd: {  	[smem:$0x3FB3] =	sst s5  }
0xe: {  	[smem:$0x3FB4] =	sst s6  }
0xf: {  	[smem:$0x3FB5] =	sst s7  }
0x10: {  	[smem:$0x3FB6] =	sst s8  }
0x11: {  	[smem:$0x3FB7] =	sst s9;
	s0 =	simm.s32 @!p0 $0x0  }
0x12: {  	s1 =	sld [smem:$0x3F9D];
	s0 =	simm.s32 @p0 $0x1  }
0x13: {  	[smem:$0x3FB8] =	sst s0;
	s0 =	simm.s32 @!p1 $0x0  }
0x14: {  	s2 =	sld [smem:$0x3F9C];
	s0 =	simm.s32 @p1 $0x1  }
0x15: {  	[smem:$0x3FB9] =	sst s0;
	s0 =	simm.s32 @!p2 $0x0  }
0x16: {  	s3 =	sld [smem:$0x3FDB];
	s0 =	simm.s32 @p2 $0x1  }
0x17: {  	s4 =	simm.s32 $0x1BF5;
	[smem:$0x3FBB] =	sst s0  }
0x18: {  	s0 =	sld [smem:$0x3F9E];
	_ =	swait.ge [sflag:s4], $0x0  }
0x19: {  	s7 =	sld [smem:$0x3F9F]  }
0x1a: {  	s8 =	sadd.s32 $0xFFFFE003, lr  }
0x1b: {  	s9 =	sadd.s32 $0xFFFFFEF7, lr;
	s5 =	simm.s32 $0xFFFFFFFF;
	p2 =	slt.u32 s8, $0xFFFFF086  }
0x1c: {  	p1 =	slt.u32 s9, $0xF7A;
	s5 =	simm.s32 @!p2 $0x0  }
0x1d: {  	s5 =	simm.s32 @p1 $0x1;
	p0 =	seq.s32 s7, s2  }
0x1e: {  	s7 =	smul.u32 @!p0 $0xF7A, s2;
	p2 =	seq.s32 @!p0 s5, $0x0  }
0x1f: {  	s9 =	smul.u32 $0xF7A, s1;
	s8 =	simm.s32 @!p0 $0x1BF5;
	p2 =	por !p2, p0  }
0x20: {  	[sflag:s8] =	ssyncset.s32 @!p0 $0xFFFFF086;
	s6 =	sadd.s32 @!p0 s3, s7;
	s7 =	simm.s32 @!p0 $0x108  }
0x21: {  	s3 =	sadd.s32 s3, s9;
	s6 =	sadd.s32 @!p0 $0x88, s6;
	s7 =	simm.s32 @p2 $0x1082  }
0x22: {  	[simem:s7], [sflag:s8] =	dma.local @!p0 [hbm:s6], $0xF7A  }
0x23: {  	s9 =	sor.u32 $0xD0000000, s2;
	s6 =	simm.s32 $0x108;
	_ =	swait.ge @!p0 [sflag:s8], $0x0  }
0x24: {  	s3 =	sadd.s32 $0x88, s3;
	s6 =	simm.s32 @!p1 $0x1082;
	[sflag:s4] =	ssyncset.s32 $0xFFFFF086  }
0x25: {  	[simem:s6], [sflag:s4] =	dma.local [hbm:s3], $0xF7A  }
0x26: {  	[smem:$0x3F9F] =	sst s1;
	(tag) =	ssettag s2;
	_ =	strace s9  }
0x27: {  	s1 =	sld [smem:$0x3FAF]  }
0x28: {  	s2 =	sld [smem:$0x3FB0]  }
0x29: {  	s4 =	sld [smem:$0x3FB2]  }
0x2a: {  	p0 =	seq.s32 s5, $0x0;
	s5 =	sld [smem:$0x3FB3]  }
0x2b: {  	s6 =	sld [smem:$0x3FB4]  }
0x2c: {  	s7 =	sld [smem:$0x3FB5]  }
0x2d: {  	s3 =	simm.s32 $0x108;
	s8 =	sld [smem:$0x3FB6]  }
0x2e: {  	s3 =	simm.s32 @!p0 $0x1082;
	s9 =	sld [smem:$0x3FB7]  }
0x2f: {  	lr =	sadd.s32 s0, s3;
	s0 =	sld [smem:$0x3FAE]  }
0x30: {  	s3 =	sld [smem:$0x3FB1]  }
0x31: {  	[smem:$0x3FBA] =	sst s10  }
0x32: {  	s10 =	sld [smem:$0x3FB8];
	_ =	sdelay $0x3  }
0x33: {  	p0 =	seq.s32 s10, $0x1;
	s10 =	sld [smem:$0x3FBA];
	_ =	sdelay $0x3  }
0x34: {  	[smem:$0x3FBA] =	sst s10  }
0x35: {  	s10 =	sld [smem:$0x3FB9];
	_ =	sdelay $0x3  }
0x36: {  	p1 =	seq.s32 s10, $0x1;
	s10 =	sld [smem:$0x3FBA];
	_ =	sdelay $0x3  }
0x37: {  	[smem:$0x3FBA] =	sst s10  }
0x38: {  	s10 =	sld [smem:$0x3FBB]  }
0x39: {  	_ = 	snop;
	(pc) =	sbr.ind lr, $3  }
0x3a: {  	_ = 	snop  }
0x3b: {  	_ = 	snop  }
0x3c: {  	p2 =	seq.s32 s10, $0x1;
	s10 =	sld [smem:$0x3FBA]  }
0x3d: {  	_ =	shalt  }
0x3e: {  	_ =	shalt  }
0x3f: {  	_ =	shalt  }
0x40: {  	_ =	shalt  }
0x41: {  	_ =	shalt  }
0x42: {  	_ =	shalt  }
0x43: {  	_ =	shalt  }
0x44: {  	_ =	shalt  }
0x45: {  	_ =	shalt  }
0x46: {  	_ =	shalt  }
0x47: {  	_ =	shalt  }
0x48: {  	_ =	shalt  }
0x49: {  	_ =	shalt  }
0x4a: {  	_ =	shalt  }
0x4b: {  	_ =	shalt  }
0x4c: {  	_ =	shalt  }
0x4d: {  	_ =	shalt  }
0x4e: {  	_ =	shalt  }
0x4f: {  	_ =	shalt  }
0x50: {  	_ =	shalt  }
0x51: {  	_ =	shalt  }
0x52: {  	_ =	shalt  }
0x53: {  	_ =	shalt  }
0x54: {  	_ =	shalt  }
0x55: {  	_ =	shalt  }
0x56: {  	_ =	shalt  }
0x57: {  	_ =	shalt  }
0x58: {  	_ =	shalt  }
0x59: {  	_ =	shalt  }
0x5a: {  	_ =	shalt  }
0x5b: {  	_ =	shalt  }
0x5c: {  	_ =	shalt  }
0x5d: {  	_ =	shalt  }
0x5e: {  	_ =	shalt  }
0x5f: {  	_ =	shalt  }
0x60: {  	_ =	shalt  }
0x61: {  	_ =	shalt  }
0x62: {  	_ =	shalt  }
0x63: {  	_ =	shalt  }
0x64: {  	_ =	shalt  }
0x65: {  	_ =	shalt  }
0x66: {  	_ =	shalt  }
0x67: {  	_ =	shalt  }
0x68: {  	_ =	shalt  }
0x69: {  	_ =	shalt  }
0x6a: {  	_ =	shalt  }
0x6b: {  	_ =	shalt  }
0x6c: {  	_ =	shalt  }
0x6d: {  	_ =	shalt  }
0x6e: {  	_ =	shalt  }
0x6f: {  	_ =	shalt  }
0x70: {  	_ =	shalt  }
0x71: {  	_ =	shalt  }
0x72: {  	_ =	shalt  }
0x73: {  	_ =	shalt  }
0x74: {  	_ =	shalt  }
0x75: {  	_ =	shalt  }
0x76: {  	_ =	shalt  }
0x77: {  	_ =	shalt  }
0x78: {  	_ =	shalt  }
0x79: {  	_ =	shalt  }
0x7a: {  	_ =	shalt  }
0x7b: {  	_ =	shalt  }
0x7c: {  	_ =	shalt  }
0x7d: {  	_ =	shalt  }
0x7e: {  	_ =	shalt  }
0x7f: {  	_ =	shalt  }
0x80: {  	_ =	shalt  }
0x81: {  	_ =	shalt  }
0x82: {  	_ =	shalt  }
0x83: {  	_ =	shalt  }
0x84: {  	_ =	shalt  }
0x85: {  	_ =	shalt  }
0x86: {  	_ =	shalt  }
0x87: {  	_ =	shalt  }
.Lfunc_end0:
.L_simem_size_0:
called_computation_lowered:
.L_overlay_start_0:
0x88: {  	s2 =	sld [smem:$0x3FD9]  }
0x89: {  	s3 =	sld [smem:$0x3FFE];
	_ =	sdelay $0x1  }
0x8a: {  	s1 =	srdreg.scid  }
0x8b: {  	s0 =	sand.u32 $0x1, s1  }
0x8c: {  	s18 =	sshll.u32 s0, $0xA;
	s2 =	sadd.s32 s3, s2  }
0x8d: {  	s2 =	sadd.s32 s2, s18  }
0x8e: {  	[smem:$0x3FC6] =	sst s2  }
0x8f: {  	_ = 	snop  }
0x90: {  	s2 =	sld [smem:$0x3FC9]  }
0x91: {  	s19 =	sld [smem:$0x3FC8]  }
0x92: {  	s4 =	sld [smem:$0x3FD0];
	(tm) =	ssettm $0x1  }
0x93: {  	s5 =	sld [smem:$0x3FFB];
	_ =	sdelay $0x3  }
0x94: {  	_ =	strace s5  }
0x95: {  	s5 =	sld [smem:$0x3FFC];
	_ =	sdelay $0x3  }
0x96: {  	_ =	strace s5  }
0x97: {  	s5 =	sld [smem:$0x3FFD];
	_ =	sdelay $0x3  }
0x98: {  	_ =	strace s5  }
0x99: {  	_ =	strace $0x8FFFFFFF  }
0x9a: {  	s20 =	sld [smem:$0x3FDB];
	_ =	sdelay $0x1  }
0x9b: {  	s6 =	simm.s32 $_scs_section_size  }
0x9c: {  	s7 =	simm.s32 $_size__tile_overlayer_lowered;
	s8 =	simm.s32 $_tile_overlayer_lowered  }
0x9d: {  	s23 =	simm.s32 $0x1BFF;
	s22 =	sshll.u32 s8, $0x1;
	s5 =	sadd.s32 s6, s20  }
0x9e: {  	s9 =	simm.s32 $0x0;
	s21 =	sshll.u32 s7, $0x1;
	s7 =	sadd.s32 s22, s5  }
0x9f: {  	[timem:s9], [sflag:s23] =	dma.local [hbm:s7], s21  }
0xa0: {  	_ =	swait.ge [sflag:s23], s21  }
0xa1: {  	s6 =	ssub.s32 $0x0, s21;
	[sflag:s23] =	ssyncset.done $0x0  }
0xa2: {  	[sflag:s23] =	ssyncadd.s32 s6;
	_ =	sdelay $0x1  }
0xa3: {  	s24 =	simm.s32 $0x1B8B  }
0xa4: {  	_ =	swait.ge [sflag:s24], $0x1  }
0xa5: {  	[sflag:s24] =	ssyncset.done $0x0  }
0xa6: {  	s25 =	simm.s32 $0x1B8E;
	[sflag:s24] =	ssyncadd.s32 $0xFFFFFFFF  }
0xa7: {  	s26 =	simm.s32 $execute0_lowered;
	[smem:$0x3FD2] =	sst s25  }
0xa8: {  	s6 =	sshll.u32 s26, $0x1;
	_ =	strace $0x80000046;
	[dreg:$0x1] =	wrdreg $0xFFFFFFFF  }
0xa9: {  	s28 =	simm.s32 $_size_execute0_lowered;
	s5 =	sadd.s32 s5, s6;
	[dreg:$0x0] =	wrdreg $0x0  }
0xaa: {  	s6 =	sshll.u32 s28, $0x1;
	[dreg:$0x2] =	wrdreg s5  }
0xab: {  	[dreg:$0x3] =	wrdreg s6  }
0xac: {  	[dreg:$0x4] =	wrdreg $0xC0  }
0xad: {  	_ =	task [dreg:s9], $0x5FFFF  }
0xae: {  	[dreg:$0x1] =	wrdreg $0xFFFFFFFF  }
0xaf: {  	[dreg:$0x0] =	wrdreg $0x60  }
0xb0: {  	[dreg:$0x2] =	wrdreg s2  }
0xb1: {  	[dreg:$0x3] =	wrdreg s19  }
0xb2: {  	[dreg:$0x4] =	wrdreg s4  }
0xb3: {  	[dreg:$0x5] =	wrdreg $0x9  }
0xb4: {  	_ =	task.clear_ibuf [dreg:s9], $0x6FFFF;
	_ =	strace $0x90000046  }
0xb5: {  	s29 =	simm.s32 $0x9;
	_ =	strace $0x80000048  }
0xb6: {  	_ =	swait.ge [sflag:s29], $0x1  }
0xb7: {  	[sflag:s29] =	ssyncadd.s32 $0xFFFFFFFF  }
0xb8: {  	_ =	strace $0x90000048  }
0xb9: {  	_ =	sfence  }
0xba: {  	s30 =	sld [smem:$0x0];
	_ =	sdelay $0x2  }
0xbb: {  	s31 =	sshll.u32 s1, $0xD;
	s1 =	sshrl.u32 s1, $0x2  }
0xbc: {  	s3 =	sand.u32 $0x4000, s31;
	s1 =	sadd.s32 s1, s30  }
0xbd: {  	s0 =	sor.u32 s3, s0;
	s1 =	sshll.u32 s1, $0x11  }
0xbe: {  	s0 =	sor.u32 s1, s0  }
0xbf: {  	s0 =	sadd.s32 $0x8F2B, s0  }
0xc0: {  	[sflag:s0] =	ssyncadd.remote.s32 $0x1  }
0xc1: {  	_ =	sfence.sel $0xFFFF  }
0xc2: {  	[dreg:$0x0] =	wrdreg $0xFFFFFFFF;
	(pc) =	sbr.abs _section_cstart, $3  }
0xc3: {  	[dreg:$0x1] =	wrdreg $0xFFFFFFFF  }
0xc4: {  	_ =	task.clear_ibuf [dreg:s9], $0x2FFFF;
	_ =	strace $0x9FFFFFFF  }
0xc5: {  	(tm) =	ssettm $0x7FFFFFFF  }
tec
execute0_lowered:
.L_overlay_start_1:
0x0: {  	(tag) =	ssettag $0x1  }
0x1: {  	s0 =	rddreg [dreg:$0x0]  }
0x2: {  	s1 =	rddreg [dreg:$0x1]  }
0x3: {  	s12 =	rddreg [dreg:$0x2]  }
0x4: {  	s4 =	srdreg.scid;
	s3 =	simm.s32 $0x0;
	s2 =	stileid.u32  }
0x5: {  	s15 =	simm.s32 $0x80;
	s16 =	simm.s32 $0x400;
	[smem:$0x7FF] =	sst s3  }
0x6: {  	v0 =	vimm.f32 $6.270000330e-02;
	s17 =	simm.s32 $0x18000;
	s18 =	simm.s32 $0x4000;
	_ =	strace $0x80000047  }
0x7: {  	s19 =	simm.s32 $0x8000;
	s20 =	simm.s32 $0x4;
	s21 =	simm.s32 $0x1;
	(erf) = vrcp.f32 v0  }
0x8: {  	s22 =	simm.s32 $0x5;
	s23 =	simm.s32 $0x10000;
	s24 =	simm.s32 $0x2  }
0x9: {  	s25 =	simm.s32 $0x3;
	s26 =	simm.s32 $0x6;
	s4 =	sand.u32 $0x1, s4  }
0xa: {  	s5 =	sshll.u32 s2, $0xF;
	s6 =	sshll.u32 s4, $0x6;
	s7 =	ssub.s32 $0x2, s4  }
0xb: {  	s28 =	simm.s32 $0x0;
	s8 =	sor.u32 s6, s5;
	s31 =	sshrl.u32 s7, $0x1  }
0xc: {  	s4 =	sadd.s32 s0, s8;
	s14 =	ssub.s32 s7, s31;
	s10 =	sor.u32 $0x10, s8  }
0xd: {  	s11 =	sor.u32 $0x20, s8;
	s13 =	sor.u32 $0x30, s8;
	s8 =	sadd.s32 s12, s8  }
0xe: {  	s5 =	sadd.s32 $0x4000, s4;
	s6 =	sadd.s32 s0, s10;
	s7 =	sadd.s32 s0, s11  }
0xf: {  	s10 =	sadd.s32 s12, s10;
	s11 =	sadd.s32 s12, s11;
	s12 =	sadd.s32 s12, s13  }
0x10: {  	s9 =	sadd.s32 s0, s13;
	s14 =	smax.u32 s14, $0x1;
	s13 =	sadd.s32 $0x4000, s12;
	v0 =	vpop (erf)  }
.LBB2_1:
0x11: {  	[tilespmem:s3], [sflag:$0x1] =	stream.strided.gather [hbm4b:s4+s15], $0x4000, s16, s15, $0x38;
	[tilespmem:$0x18100] =	vst v63  }
0x12: {  	_ = 	snop  }
0x13: {  	[tilespmem:s17], [sflag:$0x4] =	stream.linear.gather [hbm4b:s1+s3], $0x100, $0x38;
	[tilespmem:$0x18100] =	vst v63  }
0x14: {  	_ = 	snop  }
0x15: {  	[tilespmem:s18], [sflag:$0x5] =	stream.strided.gather [hbm4b:s5+s15], $0x4000, s16, s15, $0x38;
	[tilespmem:$0x18100] =	vst v63  }
0x16: {  	_ = 	snop  }
0x17: {  	[tilespmem:s19], [sflag:$0x2] =	stream.strided.gather [hbm4b:s6+s15], $0x8000, s16, s15, $0x38;
	[tilespmem:$0x18100] =	vst v63  }
0x18: {  	_ =	swait.ge [sflag:s20], $0x100  }
0x19: {  	[sflag:s20] =	ssyncset.done $0x0  }
0x1a: {  	[sflag:s20] =	ssyncadd.s32 $0xFFFFFF00  }
0x1b: {  	_ =	swait.ge [sflag:s21], $0x4000  }
0x1c: {  	[sflag:s21] =	ssyncset.done $0x0  }
0x1d: {  	s29 =	simm.s32 $0x40;
	[sflag:s21] =	ssyncadd.s32 $0xFFFFC000  }
0x1e: {  	v1 =	vld [tilespmem:s29+$0xFFFFFFC0];
	_ =	sdelay $0x1  }
0x1f: {  	v2 =	vld [tilespmem:s29+$0xFFFFFFD0];
	_ =	sdelay $0x1  }
0x20: {  	v3 =	vld [tilespmem:s29+$0xFFFFFFE0]  }
0x21: {  	v4 =	vld [tilespmem:s29+$0xFFFFFFF0];
	v1 =	vmul.f32 v1, v0  }
0x22: {  	v5 =	vld [tilespmem:s29+$0x0]  }
0x23: {  	v2 =	vmul.f32 v2, v0;
	v1 =	vmax.f32 v1, $0.0e+00  }
0x24: {  	v6 =	vld [tilespmem:s29+$0x10];
	v1 =	vmin.f32 v1, $2.550000000e+02  }
0x25: {  	v3 =	vmul.f32 v3, v0;
	v2 =	vmax.f32 v2, $0.0e+00;
	v1 =	vtrunc.f32 v1  }
0x26: {  	v7 =	vld [tilespmem:s29+$0x20];
	v4 =	vmul.f32 v4, v0;
	v2 =	vmin.f32 v2, $2.550000000e+02;
	v1 =	vcvt.f32.s32 v1  }
0x27: {  	v8 =	vld [tilespmem:s29+$0x30];
	v5 =	vmul.f32 v5, v0;
	v3 =	vmax.f32 v3, $0.0e+00;
	v2 =	vtrunc.f32 v2  }
0x28: {  	s30 =	simm.s32 $0xC0;
	v4 =	vmax.f32 v4, $0.0e+00;
	v3 =	vmin.f32 v3, $2.550000000e+02;
	v2 =	vcvt.f32.s32 v2  }
0x29: {  	v9 =	vld [tilespmem:s30+$0xFFFFFFC0];
	v6 =	vmul.f32 v6, v0;
	v4 =	vmin.f32 v4, $2.550000000e+02;
	v3 =	vtrunc.f32 v3  }
0x2a: {  	v5 =	vmax.f32 v5, $0.0e+00;
	v4 =	vtrunc.f32 v4;
	v3 =	vcvt.f32.s32 v3  }
0x2b: {  	v10 =	vld [tilespmem:s30+$0xFFFFFFD0];
	v7 =	vmul.f32 v7, v0;
	v5 =	vmin.f32 v5, $2.550000000e+02;
	v4 =	vcvt.f32.s32 v4  }
0x2c: {  	v8 =	vmul.f32 v8, v0;
	v6 =	vmax.f32 v6, $0.0e+00;
	v5 =	vtrunc.f32 v5;
	v1 =	vld.idx.msk [tilespmem:v1+s17+$0x0], $0xffff  }
0x2d: {  	v11 =	vld [tilespmem:s30+$0xFFFFFFE0];
	v7 =	vmax.f32 v7, $0.0e+00;
	v6 =	vmin.f32 v6, $2.550000000e+02;
	v5 =	vcvt.f32.s32 v5  }
0x2e: {  	v9 =	vmul.f32 v9, v0;
	v7 =	vmin.f32 v7, $2.550000000e+02;
	v6 =	vtrunc.f32 v6;
	v2 =	vld.idx.msk [tilespmem:v2+s17+$0x0], $0xffff  }
0x2f: {  	v12 =	vimm.f32 $0.0e+00;
	v13 =	vld [tilespmem:s30+$0xFFFFFFF0];
	v7 =	vtrunc.f32 v7;
	v6 =	vcvt.f32.s32 v6  }
0x30: {  	v8 =	vmax.f32 v8, $0.0e+00;
	v15 =	vcvt.f32.s32 v7;
	v7 =	vmax.f32 v9, $0.0e+00;
	v3 =	vld.idx.msk [tilespmem:v3+s17+$0x0], $0xffff  }
0x31: {  	v14 =	vld.idx.msk [tilespmem:v4+s17+$0x0], $0xffff;
	v4 =	vmin.f32 v8, $2.550000000e+02;
	v8 =	vmul.f32 v10, v0;
	v12 =	vadd.f32 v1, v12  }
0x32: {  	v7 =	vmin.f32 v7, $2.550000000e+02;
	v10 =	vld [tilespmem:s30+$0x0];
	v4 =	vtrunc.f32 v4  }
0x33: {  	v16 =	vld.idx.msk [tilespmem:v5+s17+$0x0], $0xffff;
	v17 =	vcvt.f32.s32 v4;
	v5 =	vmax.f32 v8, $0.0e+00;
	v9 =	vadd.f32 v2, v12  }
0x34: {  	v4 =	vtrunc.f32 v7;
	v8 =	vmul.f32 v11, v0;
	v7 =	vld [tilespmem:s30+$0x10];
	v5 =	vmin.f32 v5, $2.550000000e+02;
	[tilespmem:s29+$0xFFFFFFC0] =	vst v1  }
0x35: {  	v4 =	vcvt.f32.s32 v4;
	v1 =	vld.idx.msk [tilespmem:v6+s17+$0x0], $0xffff;
	[tilespmem:s29+$0xFFFFFFD0] =	vst v2;
	v2 =	vtrunc.f32 v5;
	v11 =	vadd.f32 v3, v9  }
0x36: {  	v6 =	vmax.f32 v8, $0.0e+00;
	v8 =	vmul.f32 v13, v0;
	v5 =	vcvt.f32.s32 v2;
	v2 =	vld.idx.msk [tilespmem:v15+s17+$0x0], $0xffff  }
0x37: {  	[tilespmem:s29+$0xFFFFFFE0] =	vst v3;
	v9 =	vld [tilespmem:s30+$0x20];
	v3 =	vmin.f32 v6, $2.550000000e+02;
	v13 =	vadd.f32 v14, v11  }
0x38: {  	[tilespmem:s29+$0xFFFFFFF0] =	vst v14;
	v8 =	vmax.f32 v8, $0.0e+00;
	v3 =	vtrunc.f32 v3;
	v11 =	vmul.f32 v10, v0;
	v10 =	vld [tilespmem:s30+$0x30]  }
0x39: {  	s31 =	simm.s32 $0x80;
	s0 =	simm.s32 $0x140;
	[tilespmem:s29+$0x0] =	vst v16;
	v12 =	vmin.f32 v8, $2.550000000e+02;
	v6 =	vcvt.f32.s32 v3;
	v3 =	vld.idx.msk [tilespmem:v17+s17+$0x0], $0xffff;
	v8 =	vadd.f32 v16, v13  }
.LBB2_2:
0x3a: {  	v13 =	vld [tilespmem:s0+$0xFFFFFFC0];
	v12 =	vtrunc.f32 v12;
	v11 =	vmax.f32 v11, $0.0e+00;
	v7 =	vmul.f32 v7, v0  }
0x3b: {  	s31 =	sadd.s32 $0x80, s31;
	v4 =	vld.idx.msk [tilespmem:v4+s17+$0x0], $0xffff;
	v12 =	vcvt.f32.s32 v12;
	v11 =	vmin.f32 v11, $2.550000000e+02;
	[tilespmem:s29+$0x10] =	vst v1;
	v1 =	vadd.f32 v1, v8  }
0x3c: {  	p0 =	slt.u32 s31, $0x3F80;
	v9 =	vmul.f32 v9, v0;
	v8 =	vld [tilespmem:s0+$0xFFFFFFD0];
	v11 =	vtrunc.f32 v11;
	v7 =	vmax.f32 v7, $0.0e+00  }
0x3d: {  	v5 =	vld.idx.msk [tilespmem:v5+s17+$0x0], $0xffff;
	v11 =	vcvt.f32.s32 v11;
	v7 =	vmin.f32 v7, $2.550000000e+02;
	[tilespmem:s29+$0x20] =	vst v2;
	v1 =	vadd.f32 v2, v1  }
0x3e: {  	v9 =	vmax.f32 v9, $0.0e+00;
	v10 =	vmul.f32 v10, v0;
	v2 =	vld [tilespmem:s0+$0xFFFFFFE0];
	v7 =	vtrunc.f32 v7  }
0x3f: {  	v6 =	vld.idx.msk [tilespmem:v6+s17+$0x0], $0xffff;
	v14 =	vcvt.f32.s32 v7;
	v7 =	vmin.f32 v9, $2.550000000e+02;
	[tilespmem:s29+$0x30] =	vst v3;
	v1 =	vadd.f32 v3, v1;
	s29 =	smov.u32 s30;
	s30 =	smov.u32 s0  }
0x40: {  	v3 =	vmul.f32 v13, v0;
	v10 =	vmax.f32 v10, $0.0e+00;
	v9 =	vld [tilespmem:s0+$0xFFFFFFF0];
	v7 =	vtrunc.f32 v7  }
0x41: {  	[tilespmem:s29+$0xFFFFFFC0] =	vst v4;
	v1 =	vadd.f32 v4, v1;
	v12 =	vld.idx.msk [tilespmem:v12+s17+$0x0], $0xffff;
	v13 =	vcvt.f32.s32 v7;
	v4 =	vmin.f32 v10, $2.550000000e+02  }
0x42: {  	v3 =	vmax.f32 v3, $0.0e+00;
	v7 =	vmul.f32 v8, v0;
	v8 =	vld [tilespmem:s0+$0x0];
	v4 =	vtrunc.f32 v4  }
0x43: {  	v3 =	vmin.f32 v3, $2.550000000e+02;
	[tilespmem:s29+$0xFFFFFFD0] =	vst v5;
	v1 =	vadd.f32 v5, v1;
	v15 =	vld.idx.msk [tilespmem:v11+s17+$0x0], $0xffff;
	v16 =	vcvt.f32.s32 v4  }
0x44: {  	v3 =	vtrunc.f32 v3;
	v5 =	vmax.f32 v7, $0.0e+00;
	v2 =	vmul.f32 v2, v0;
	v7 =	vld [tilespmem:s0+$0x10]  }
.Ltmp0:
0x45: {  	v4 =	vcvt.f32.s32 v3;
	v3 =	vmin.f32 v5, $2.550000000e+02;
	[tilespmem:s29+$0xFFFFFFE0] =	vst v6;
	v6 =	vadd.f32 v6, v1;
	v1 =	vld.idx.msk [tilespmem:v14+s17+$0x0], $0xffff;
	(pc) =	sbr.rel @p0 .LBB2_2-.Ltmp0, $4  }
0x46: {  	v3 =	vtrunc.f32 v3;
	v2 =	vmax.f32 v2, $0.0e+00;
	v10 =	vmul.f32 v9, v0;
	v9 =	vld [tilespmem:s0+$0x20]  }
0x47: {  	v5 =	vcvt.f32.s32 v3;
	v3 =	vmin.f32 v2, $2.550000000e+02;
	[tilespmem:s29+$0xFFFFFFF0] =	vst v12;
	v14 =	vadd.f32 v12, v6;
	v2 =	vld.idx.msk [tilespmem:v13+s17+$0x0], $0xffff  }
0x48: {  	v3 =	vtrunc.f32 v3;
	v12 =	vmax.f32 v10, $0.0e+00;
	v11 =	vmul.f32 v8, v0;
	v10 =	vld [tilespmem:s0+$0x30]  }
0x49: {  	v6 =	vcvt.f32.s32 v3;
	v12 =	vmin.f32 v12, $2.550000000e+02;
	s0 =	sadd.s32 $0x80, s0;
	[tilespmem:s29+$0x0] =	vst v15;
	v8 =	vadd.f32 v15, v14;
	v3 =	vld.idx.msk [tilespmem:v16+s17+$0x0], $0xffff  }
0x4a: {  	_ = 	snop  }
0x4b: {  	v12 =	vtrunc.f32 v12;
	v11 =	vmax.f32 v11, $0.0e+00;
	v7 =	vmul.f32 v7, v0  }
0x4c: {  	v12 =	vcvt.f32.s32 v12;
	v11 =	vmin.f32 v11, $2.550000000e+02;
	v9 =	vmul.f32 v9, v0  }
0x4d: {  	v11 =	vtrunc.f32 v11;
	v7 =	vmax.f32 v7, $0.0e+00;
	v10 =	vmul.f32 v10, v0  }
0x4e: {  	v11 =	vcvt.f32.s32 v11;
	v7 =	vmin.f32 v7, $2.550000000e+02;
	v9 =	vmax.f32 v9, $0.0e+00  }
0x4f: {  	v7 =	vtrunc.f32 v7;
	v9 =	vmin.f32 v9, $2.550000000e+02;
	v10 =	vmax.f32 v10, $0.0e+00  }
0x50: {  	v7 =	vcvt.f32.s32 v7;
	v9 =	vtrunc.f32 v9;
	v10 =	vmin.f32 v10, $2.550000000e+02  }
0x51: {  	v4 =	vld.idx.msk [tilespmem:v4+s17+$0x0], $0xffff;
	v9 =	vcvt.f32.s32 v9;
	v10 =	vtrunc.f32 v10  }
0x52: {  	v5 =	vld.idx.msk [tilespmem:v5+s17+$0x0], $0xffff;
	v10 =	vcvt.f32.s32 v10  }
0x53: {  	[tilespmem:s29+$0x10] =	vst v1;
	v6 =	vld.idx.msk [tilespmem:v6+s17+$0x0], $0xffff  }
0x54: {  	[tilespmem:s29+$0x20] =	vst v2;
	v12 =	vld.idx.msk [tilespmem:v12+s17+$0x0], $0xffff  }
0x55: {  	[tilespmem:s29+$0x30] =	vst v3;
	v11 =	vld.idx.msk [tilespmem:v11+s17+$0x0], $0xffff  }
0x56: {  	[tilespmem:s30+$0xFFFFFFC0] =	vst v4;
	v7 =	vld.idx.msk [tilespmem:v7+s17+$0x0], $0xffff  }
0x57: {  	[tilespmem:s30+$0xFFFFFFD0] =	vst v5;
	v9 =	vld.idx.msk [tilespmem:v9+s17+$0x0], $0xffff  }
0x58: {  	[tilespmem:s30+$0xFFFFFFE0] =	vst v6;
	v10 =	vld.idx.msk [tilespmem:v10+s17+$0x0], $0xffff  }
0x59: {  	v1 =	vadd.f32 v1, v8;
	[tilespmem:s30+$0xFFFFFFF0] =	vst v12  }
0x5a: {  	[tilespmem:s30+$0x0] =	vst v11  }
0x5b: {  	v1 =	vadd.f32 v2, v1;
	[tilespmem:s30+$0x10] =	vst v7  }
0x5c: {  	[tilespmem:s30+$0x20] =	vst v9  }
0x5d: {  	v1 =	vadd.f32 v3, v1;
	[tilespmem:s30+$0x30] =	vst v10  }
0x5e: {  	_ =	swait.ge [sflag:s22], $0x4000  }
0x5f: {  	v1 =	vadd.f32 v4, v1;
	[sflag:s22] =	ssyncset.done $0x0  }
0x60: {  	s29 =	simm.s32 $0x4070;
	[sflag:s22] =	ssyncadd.s32 $0xFFFFC000  }
0x61: {  	v1 =	vadd.f32 v5, v1;
	v8 =	vld [tilespmem:s29+$0xFFFFFF90];
	_ =	sdelay $0x1  }
0x62: {  	v1 =	vadd.f32 v6, v1;
	v2 =	vld [tilespmem:s29+$0xFFFFFFA0];
	_ =	sdelay $0x1  }
0x63: {  	v1 =	vadd.f32 v12, v1;
	v3 =	vld [tilespmem:s29+$0xFFFFFFB0]  }
0x64: {  	v4 =	vld [tilespmem:s29+$0xFFFFFFC0];
	v8 =	vmul.f32 v8, v0  }
0x65: {  	v1 =	vadd.f32 v11, v1;
	v5 =	vld [tilespmem:s29+$0xFFFFFFD0]  }
0x66: {  	v2 =	vmul.f32 v2, v0;
	v8 =	vmax.f32 v8, $0.0e+00  }
0x67: {  	v1 =	vadd.f32 v7, v1;
	v6 =	vld [tilespmem:s29+$0xFFFFFFE0];
	v8 =	vmin.f32 v8, $2.550000000e+02  }
0x68: {  	v3 =	vmul.f32 v3, v0;
	v2 =	vmax.f32 v2, $0.0e+00;
	v8 =	vtrunc.f32 v8  }
0x69: {  	v4 =	vmul.f32 v4, v0;
	v2 =	vmin.f32 v2, $2.550000000e+02;
	v8 =	vcvt.f32.s32 v8  }
0x6a: {  	v12 =	vld [tilespmem:s29+$0xFFFFFFF0];
	v5 =	vmul.f32 v5, v0;
	v3 =	vmax.f32 v3, $0.0e+00;
	v2 =	vtrunc.f32 v2  }
0x6b: {  	v4 =	vmax.f32 v4, $0.0e+00;
	v3 =	vmin.f32 v3, $2.550000000e+02;
	v2 =	vcvt.f32.s32 v2  }
0x6c: {  	s30 =	simm.s32 $0x40F0;
	v11 =	vld [tilespmem:s29+$0x0];
	v6 =	vmul.f32 v6, v0;
	v4 =	vmin.f32 v4, $2.550000000e+02;
	v3 =	vtrunc.f32 v3  }
0x6d: {  	v13 =	vld [tilespmem:s30+$0xFFFFFF90];
	v5 =	vmax.f32 v5, $0.0e+00;
	v4 =	vtrunc.f32 v4;
	v3 =	vcvt.f32.s32 v3  }
0x6e: {  	v1 =	vadd.f32 v9, v1;
	v9 =	vld [tilespmem:s30+$0xFFFFFFB0];
	v5 =	vmin.f32 v5, $2.550000000e+02;
	v4 =	vcvt.f32.s32 v4  }
0x6f: {  	v12 =	vmul.f32 v12, v0;
	v6 =	vmax.f32 v6, $0.0e+00;
	v5 =	vtrunc.f32 v5;
	v7 =	vld.idx.msk [tilespmem:v8+s17+$0x0], $0xffff  }
0x70: {  	v1 =	vadd.f32 v10, v1;
	v6 =	vmin.f32 v6, $2.550000000e+02;
	v5 =	vcvt.f32.s32 v5;
	v8 =	vld [tilespmem:s30+$0xFFFFFFA0]  }
0x71: {  	v11 =	vmul.f32 v11, v0;
	v12 =	vmax.f32 v12, $0.0e+00;
	v6 =	vtrunc.f32 v6;
	v2 =	vld.idx.msk [tilespmem:v2+s17+$0x0], $0xffff  }
0x72: {  	v10 =	vcvt.f32.s32 v6;
	v6 =	vmin.f32 v12, $2.550000000e+02;
	v12 =	vmul.f32 v13, v0;
	v13 =	vld [tilespmem:s30+$0xFFFFFFC0]  }
0x73: {  	v11 =	vmax.f32 v11, $0.0e+00;
	v6 =	vtrunc.f32 v6;
	v3 =	vld.idx.msk [tilespmem:v3+s17+$0x0], $0xffff  }
0x74: {  	v15 =	vcvt.f32.s32 v6;
	v14 =	vld.idx.msk [tilespmem:v4+s17+$0x0], $0xffff;
	v4 =	vmin.f32 v11, $2.550000000e+02;
	v1 =	vadd.f32 v7, v1  }
0x75: {  	v6 =	vmax.f32 v12, $0.0e+00;
	v11 =	vld [tilespmem:s30+$0xFFFFFFD0];
	v4 =	vtrunc.f32 v4;
	v8 =	vmul.f32 v8, v0  }
0x76: {  	v6 =	vmin.f32 v6, $2.550000000e+02;
	v16 =	vld.idx.msk [tilespmem:v5+s17+$0x0], $0xffff;
	v17 =	vcvt.f32.s32 v4;
	v1 =	vadd.f32 v2, v1  }
0x77: {  	v4 =	vtrunc.f32 v6;
	v6 =	vld [tilespmem:s30+$0xFFFFFFE0];
	v5 =	vmax.f32 v8, $0.0e+00;
	v8 =	vmul.f32 v9, v0  }
0x78: {  	v4 =	vcvt.f32.s32 v4;
	[tilespmem:s29+$0xFFFFFF90] =	vst v7;
	v7 =	vld [tilespmem:s30+$0xFFFFFFF0];
	v5 =	vmin.f32 v5, $2.550000000e+02;
	v9 =	vadd.f32 v3, v1  }
0x79: {  	[tilespmem:s29+$0xFFFFFFA0] =	vst v2;
	v1 =	vld.idx.msk [tilespmem:v10+s17+$0x0], $0xffff;
	v2 =	vtrunc.f32 v5;
	v8 =	vmax.f32 v8, $0.0e+00;
	v10 =	vmul.f32 v13, v0  }
0x7a: {  	[tilespmem:s29+$0xFFFFFFB0] =	vst v3;
	v5 =	vcvt.f32.s32 v2;
	v3 =	vmin.f32 v8, $2.550000000e+02;
	v2 =	vld.idx.msk [tilespmem:v15+s17+$0x0], $0xffff;
	v13 =	vadd.f32 v14, v9  }
0x7b: {  	[tilespmem:s29+$0xFFFFFFC0] =	vst v14;
	v8 =	vld [tilespmem:s30+$0x0];
	v3 =	vtrunc.f32 v3;
	v12 =	vmax.f32 v10, $0.0e+00;
	v10 =	vmul.f32 v11, v0  }
0x7c: {  	s31 =	simm.s32 $0x4080;
	s0 =	simm.s32 $0x4170;
	[tilespmem:s29+$0xFFFFFFD0] =	vst v16;
	v9 =	vcvt.f32.s32 v3;
	v12 =	vmin.f32 v12, $2.550000000e+02;
	v3 =	vld.idx.msk [tilespmem:v17+s17+$0x0], $0xffff;
	v11 =	vadd.f32 v16, v13  }
.LBB2_4:
0x7d: {  	v13 =	vld [tilespmem:s0+$0xFFFFFF90];
	v12 =	vtrunc.f32 v12;
	v10 =	vmax.f32 v10, $0.0e+00;
	v6 =	vmul.f32 v6, v0  }
0x7e: {  	s31 =	sadd.s32 $0x80, s31;
	v4 =	vld.idx.msk [tilespmem:v4+s17+$0x0], $0xffff;
	v12 =	vcvt.f32.s32 v12;
	v10 =	vmin.f32 v10, $2.550000000e+02;
	[tilespmem:s29+$0xFFFFFFE0] =	vst v1;
	v1 =	vadd.f32 v1, v11  }
0x7f: {  	p0 =	slt.u32 s31, $0x7F80;
	v7 =	vmul.f32 v7, v0;
	v11 =	vld [tilespmem:s0+$0xFFFFFFA0];
	v10 =	vtrunc.f32 v10;
	v6 =	vmax.f32 v6, $0.0e+00  }
0x80: {  	v5 =	vld.idx.msk [tilespmem:v5+s17+$0x0], $0xffff;
	v10 =	vcvt.f32.s32 v10;
	v6 =	vmin.f32 v6, $2.550000000e+02;
	[tilespmem:s29+$0xFFFFFFF0] =	vst v2;
	v1 =	vadd.f32 v2, v1  }
0x81: {  	v7 =	vmax.f32 v7, $0.0e+00;
	v8 =	vmul.f32 v8, v0;
	v2 =	vld [tilespmem:s0+$0xFFFFFFB0];
	v6 =	vtrunc.f32 v6  }
0x82: {  	v9 =	vld.idx.msk [tilespmem:v9+s17+$0x0], $0xffff;
	v14 =	vcvt.f32.s32 v6;
	v6 =	vmin.f32 v7, $2.550000000e+02;
	[tilespmem:s29+$0x0] =	vst v3;
	v1 =	vadd.f32 v3, v1;
	s29 =	smov.u32 s30;
	s30 =	smov.u32 s0  }
0x83: {  	v3 =	vmul.f32 v13, v0;
	v8 =	vmax.f32 v8, $0.0e+00;
	v7 =	vld [tilespmem:s0+$0xFFFFFFC0];
	v6 =	vtrunc.f32 v6  }
0x84: {  	[tilespmem:s29+$0xFFFFFF90] =	vst v4;
	v1 =	vadd.f32 v4, v1;
	v12 =	vld.idx.msk [tilespmem:v12+s17+$0x0], $0xffff;
	v13 =	vcvt.f32.s32 v6;
	v4 =	vmin.f32 v8, $2.550000000e+02  }
0x85: {  	v3 =	vmax.f32 v3, $0.0e+00;
	v6 =	vmul.f32 v11, v0;
	v8 =	vld [tilespmem:s0+$0xFFFFFFD0];
	v4 =	vtrunc.f32 v4  }
0x86: {  	v3 =	vmin.f32 v3, $2.550000000e+02;
	[tilespmem:s29+$0xFFFFFFA0] =	vst v5;
	v1 =	vadd.f32 v5, v1;
	v11 =	vld.idx.msk [tilespmem:v10+s17+$0x0], $0xffff;
	v15 =	vcvt.f32.s32 v4  }
0x87: {  	v3 =	vtrunc.f32 v3;
	v5 =	vmax.f32 v6, $0.0e+00;
	v2 =	vmul.f32 v2, v0;
	v6 =	vld [tilespmem:s0+$0xFFFFFFE0]  }
.Ltmp1:
0x88: {  	v4 =	vcvt.f32.s32 v3;
	v3 =	vmin.f32 v5, $2.550000000e+02;
	[tilespmem:s29+$0xFFFFFFB0] =	vst v9;
	v9 =	vadd.f32 v9, v1;
	v1 =	vld.idx.msk [tilespmem:v14+s17+$0x0], $0xffff;
	(pc) =	sbr.rel @p0 .LBB2_4-.Ltmp1, $4  }
0x89: {  	v3 =	vtrunc.f32 v3;
	v2 =	vmax.f32 v2, $0.0e+00;
	v10 =	vmul.f32 v7, v0;
	v7 =	vld [tilespmem:s0+$0xFFFFFFF0]  }
0x8a: {  	v5 =	vcvt.f32.s32 v3;
	v3 =	vmin.f32 v2, $2.550000000e+02;
	[tilespmem:s29+$0xFFFFFFC0] =	vst v12;
	v14 =	vadd.f32 v12, v9;
	v2 =	vld.idx.msk [tilespmem:v13+s17+$0x0], $0xffff  }
0x8b: {  	v3 =	vtrunc.f32 v3;
	v12 =	vmax.f32 v10, $0.0e+00;
	v10 =	vmul.f32 v8, v0;
	v8 =	vld [tilespmem:s0+$0x0]  }
0x8c: {  	v9 =	vcvt.f32.s32 v3;
	v12 =	vmin.f32 v12, $2.550000000e+02;
	s0 =	sadd.s32 $0x80, s0;
	[tilespmem:s29+$0xFFFFFFD0] =	vst v11;
	v11 =	vadd.f32 v11, v14;
	v3 =	vld.idx.msk [tilespmem:v15+s17+$0x0], $0xffff  }
0x8d: {  	_ =	sdelay $0x1  }
0x8e: {  	v10 =	vmax.f32 v10, $0.0e+00  }
0x8f: {  	v6 =	vmul.f32 v6, v0;
	v12 =	vtrunc.f32 v12;
	v11 =	vadd.f32 v1, v11  }
0x90: {  	v4 =	vld.idx.msk [tilespmem:v4+s17+$0x0], $0xffff;
	v10 =	vmin.f32 v10, $2.550000000e+02;
	v12 =	vcvt.f32.s32 v12;
	v7 =	vmul.f32 v7, v0  }
0x91: {  	v10 =	vtrunc.f32 v10;
	v6 =	vmax.f32 v6, $0.0e+00;
	v11 =	vadd.f32 v2, v11  }
0x92: {  	v5 =	vld.idx.msk [tilespmem:v5+s17+$0x0], $0xffff;
	v6 =	vmin.f32 v6, $2.550000000e+02;
	v10 =	vcvt.f32.s32 v10;
	v7 =	vmax.f32 v7, $0.0e+00  }
0x93: {  	v8 =	vmul.f32 v8, v0;
	v6 =	vtrunc.f32 v6;
	v11 =	vadd.f32 v3, v11  }
0x94: {  	v9 =	vld.idx.msk [tilespmem:v9+s17+$0x0], $0xffff;
	v7 =	vmin.f32 v7, $2.550000000e+02;
	v6 =	vcvt.f32.s32 v6  }
0x95: {  	v7 =	vtrunc.f32 v7;
	v8 =	vmax.f32 v8, $0.0e+00;
	v11 =	vadd.f32 v4, v11  }
0x96: {  	v7 =	vcvt.f32.s32 v7;
	v8 =	vmin.f32 v8, $2.550000000e+02;
	v12 =	vld.idx.msk [tilespmem:v12+s17+$0x0], $0xffff  }
0x97: {  	v8 =	vtrunc.f32 v8;
	v11 =	vadd.f32 v5, v11  }
0x98: {  	v8 =	vcvt.f32.s32 v8;
	v10 =	vld.idx.msk [tilespmem:v10+s17+$0x0], $0xffff  }
0x99: {  	v11 =	vadd.f32 v9, v11  }
0x9a: {  	v6 =	vld.idx.msk [tilespmem:v6+s17+$0x0], $0xffff  }
0x9b: {  	v11 =	vadd.f32 v12, v11  }
0x9c: {  	v7 =	vld.idx.msk [tilespmem:v7+s17+$0x0], $0xffff  }
0x9d: {  	v11 =	vadd.f32 v10, v11  }
0x9e: {  	v8 =	vld.idx.msk [tilespmem:v8+s17+$0x0], $0xffff  }
0x9f: {  	v11 =	vadd.f32 v6, v11;
	_ =	sdelay $0x1  }
0xa0: {  	v11 =	vadd.f32 v7, v11;
	_ =	sdelay $0x1  }
0xa1: {  	v11 =	vadd.f32 v8, v11;
	_ =	sdelay $0x1  }
0xa2: {  	(xrf2) =	vadd.scan.msk.f32 $0xffff, v11;
	_ =	sdelay $0x5  }
0xa3: {  	[tilespmem:s29+$0xFFFFFFE0] =	vst v1  }
0xa4: {  	[tilespmem:s29+$0xFFFFFFF0] =	vst v2  }
0xa5: {  	[tilespmem:s29+$0x0] =	vst v3  }
0xa6: {  	[tilespmem:s30+$0xFFFFFF90] =	vst v4  }
0xa7: {  	[tilespmem:s30+$0xFFFFFFA0] =	vst v5;
	v1, _, _ =	vpop (xrf2)  }
0xa8: {  	[tilespmem:s30+$0xFFFFFFB0] =	vst v9;
	v1 =	vbroadcast v1, $0xF  }
0xa9: {  	[tilespmem:s30+$0xFFFFFFC0] =	vst v12  }
0xaa: {  	[tilespmem:s30+$0xFFFFFFD0] =	vst v10;
	(erf) = vrcp.f32 v1  }
0xab: {  	[tilespmem:s30+$0xFFFFFFE0] =	vst v6  }
0xac: {  	[tilespmem:s30+$0xFFFFFFF0] =	vst v7  }
0xad: {  	s0 =	simm.s32 $0x40;
	[tilespmem:s30+$0x0] =	vst v8  }
0xae: {  	[tilespmem:s23], [sflag:$0x3] =	stream.strided.gather [hbm4b:s7+s15], $0x8000, s16, s15, $0x38;
	[tilespmem:$0x18100] =	vst v63  }
0xaf: {  	v4 =	vld [tilespmem:s0+$0x30]  }
0xb0: {  	v6 =	vld [tilespmem:s0+$0xFFFFFFD0]  }
0xb1: {  	v8 =	vld [tilespmem:s0+$0xFFFFFFE0]  }
0xb2: {  	v5 =	vld [tilespmem:s0+$0xFFFFFFF0]  }
0xb3: {  	v3 =	vld [tilespmem:s0+$0x0];
	v1 =	vpop (erf)  }
0xb4: {  	v2 =	vld [tilespmem:s0+$0x10];
	v9 =	vmul.f32 v4, v1  }
0xb5: {  	v4 =	vld [tilespmem:s0+$0x20];
	v7 =	vmul.f32 v6, v1  }
0xb6: {  	s29 =	simm.s32 $0x0;
	s30 =	simm.s32 $0xC0;
	v6 =	vld [tilespmem:s0+$0xFFFFFFC0];
	v8 =	vmul.f32 v8, v1;
	[tilespmem:s0+$0x30] =	vst v9  }
.LBB2_6:
0xb7: {  	v9 =	vld [tilespmem:s30+$0x30];
	s29 =	sadd.s32 $0x80, s29;
	[tilespmem:s0+$0xFFFFFFD0] =	vst v7;
	v5 =	vmul.f32 v5, v1  }
0xb8: {  	v7 =	vld [tilespmem:s30+$0xFFFFFFD0];
	p0 =	slt.u32 s29, $0x7F80;
	[tilespmem:s0+$0xFFFFFFE0] =	vst v8;
	v3 =	vmul.f32 v3, v1  }
0xb9: {  	v8 =	vld [tilespmem:s30+$0xFFFFFFE0];
	[tilespmem:s0+$0xFFFFFFF0] =	vst v5;
	v2 =	vmul.f32 v2, v1  }
.Ltmp2:
0xba: {  	v5 =	vld [tilespmem:s30+$0xFFFFFFF0];
	[tilespmem:s0+$0x0] =	vst v3;
	v4 =	vmul.f32 v4, v1;
	(pc) =	sbr.rel @p0 .LBB2_6-.Ltmp2, $4  }
0xbb: {  	v3 =	vld [tilespmem:s30+$0x0];
	v6 =	vmul.f32 v6, v1;
	[tilespmem:s0+$0x10] =	vst v2  }
0xbc: {  	v2 =	vld [tilespmem:s30+$0x10];
	v9 =	vmul.f32 v9, v1;
	[tilespmem:s0+$0x20] =	vst v4  }
0xbd: {  	v7 =	vmul.f32 v7, v1;
	v4 =	vld [tilespmem:s30+$0x20];
	[tilespmem:s0+$0xFFFFFFC0] =	vst v6;
	s0 =	smov.u32 s30  }
0xbe: {  	s30 =	sadd.s32 $0x80, s30;
	v6 =	vld [tilespmem:s0+$0xFFFFFFC0];
	v8 =	vmul.f32 v8, v1;
	[tilespmem:s0+$0x30] =	vst v9  }
0xbf: {  	[tilespmem:s0+$0xFFFFFFD0] =	vst v7;
	v5 =	vmul.f32 v5, v1  }
0xc0: {  	[tilespmem:s0+$0xFFFFFFE0] =	vst v8;
	v3 =	vmul.f32 v3, v1  }
0xc1: {  	[tilespmem:s0+$0xFFFFFFF0] =	vst v5;
	v2 =	vmul.f32 v2, v1  }
0xc2: {  	[tilespmem:s0+$0x0] =	vst v3;
	v3 =	vmul.f32 v4, v1  }
0xc3: {  	v1 =	vmul.f32 v6, v1;
	[tilespmem:s0+$0x10] =	vst v2  }
0xc4: {  	[tilespmem:s0+$0x20] =	vst v3  }
0xc5: {  	[tilespmem:s0+$0xFFFFFFC0] =	vst v1  }
0xc6: {  	[hbm4b:s8+s15] =	stream.strided.scatter [tilespmem:s3], [sflag:$0x4], $0x8000, s16, s15, $0x38;
	[tilespmem:$0x18100] =	vst v63  }
0xc7: {  	_ =	swait.ge [sflag:s24], $0x8000  }
0xc8: {  	[sflag:s24] =	ssyncset.done $0x0  }
0xc9: {  	s29 =	simm.s32 $0x8040;
	[sflag:s24] =	ssyncadd.s32 $0xFFFF8000  }
0xca: {  	v1 =	vld [tilespmem:s29+$0xFFFFFFC0]  }
0xcb: {  	v2 =	vld [tilespmem:s29+$0xFFFFFFD0]  }
0xcc: {  	v3 =	vld [tilespmem:s29+$0xFFFFFFE0]  }
0xcd: {  	v4 =	vld [tilespmem:s29+$0xFFFFFFF0]  }
0xce: {  	v5 =	vld [tilespmem:s29+$0x0]  }
0xcf: {  	v6 =	vld [tilespmem:s29+$0x10];
	v1 =	vmul.f32 v1, v0  }
0xd0: {  	v7 =	vld [tilespmem:s29+$0x20]  }
0xd1: {  	v2 =	vmul.f32 v2, v0;
	v1 =	vmax.f32 v1, $0.0e+00  }
0xd2: {  	v3 =	vmul.f32 v3, v0;
	v4 =	vmul.f32 v4, v0;
	v1 =	vmin.f32 v1, $2.550000000e+02  }
0xd3: {  	v5 =	vmul.f32 v5, v0;
	v2 =	vmax.f32 v2, $0.0e+00;
	v1 =	vtrunc.f32 v1  }
0xd4: {  	v6 =	vmul.f32 v6, v0;
	v2 =	vmin.f32 v2, $2.550000000e+02;
	v1 =	vcvt.f32.s32 v1  }
0xd5: {  	v7 =	vmul.f32 v7, v0;
	v3 =	vmax.f32 v3, $0.0e+00;
	v2 =	vtrunc.f32 v2  }
0xd6: {  	s30 =	simm.s32 $0x80C0;
	v8 =	vld [tilespmem:s29+$0x30];
	v4 =	vmax.f32 v4, $0.0e+00;
	v3 =	vmin.f32 v3, $2.550000000e+02;
	v2 =	vcvt.f32.s32 v2  }
0xd7: {  	v9 =	vld [tilespmem:s30+$0xFFFFFFC0];
	v5 =	vmax.f32 v5, $0.0e+00;
	v4 =	vmin.f32 v4, $2.550000000e+02;
	v3 =	vtrunc.f32 v3  }
0xd8: {  	v5 =	vmin.f32 v5, $2.550000000e+02;
	v4 =	vtrunc.f32 v4;
	v3 =	vcvt.f32.s32 v3  }
0xd9: {  	v10 =	vld [tilespmem:s30+$0xFFFFFFD0];
	v6 =	vmax.f32 v6, $0.0e+00;
	v5 =	vtrunc.f32 v5;
	v4 =	vcvt.f32.s32 v4  }
0xda: {  	v6 =	vmin.f32 v6, $2.550000000e+02;
	v5 =	vcvt.f32.s32 v5;
	v1 =	vld.idx.msk [tilespmem:v1+s17+$0x0], $0xffff  }
0xdb: {  	v11 =	vld [tilespmem:s30+$0xFFFFFFE0];
	v8 =	vmul.f32 v8, v0;
	v7 =	vmax.f32 v7, $0.0e+00;
	v6 =	vtrunc.f32 v6  }
0xdc: {  	v13 =	vcvt.f32.s32 v6;
	v6 =	vmin.f32 v7, $2.550000000e+02;
	v7 =	vmul.f32 v9, v0;
	v2 =	vld.idx.msk [tilespmem:v2+s17+$0x0], $0xffff  }
0xdd: {  	v12 =	vimm.f32 $0.0e+00;
	v8 =	vmax.f32 v8, $0.0e+00;
	v9 =	vld [tilespmem:s30+$0xFFFFFFF0];
	v6 =	vtrunc.f32 v6  }
0xde: {  	v15 =	vcvt.f32.s32 v6;
	v6 =	vmax.f32 v7, $0.0e+00;
	v7 =	vmul.f32 v10, v0;
	v3 =	vld.idx.msk [tilespmem:v3+s17+$0x0], $0xffff  }
0xdf: {  	v14 =	vld.idx.msk [tilespmem:v4+s17+$0x0], $0xffff;
	v4 =	vmin.f32 v8, $2.550000000e+02;
	v12 =	vadd.f32 v1, v12  }
0xe0: {  	v6 =	vmin.f32 v6, $2.550000000e+02;
	v16 =	vld.idx.msk [tilespmem:v5+s17+$0x0], $0xffff;
	v5 =	vmax.f32 v7, $0.0e+00;
	v4 =	vtrunc.f32 v4  }
0xe1: {  	v8 =	vld [tilespmem:s30+$0x0];
	v7 =	vmul.f32 v11, v0;
	v17 =	vcvt.f32.s32 v4;
	v10 =	vadd.f32 v2, v12  }
0xe2: {  	v5 =	vmin.f32 v5, $2.550000000e+02;
	v4 =	vtrunc.f32 v6;
	v6 =	vld [tilespmem:s30+$0x10]  }
0xe3: {  	v11 =	vmax.f32 v7, $0.0e+00;
	v7 =	vld [tilespmem:s30+$0x20];
	v4 =	vcvt.f32.s32 v4;
	[tilespmem:s29+$0xFFFFFFC0] =	vst v1;
	v10 =	vadd.f32 v3, v10  }
0xe4: {  	v9 =	vmul.f32 v9, v0;
	v1 =	vld.idx.msk [tilespmem:v13+s17+$0x0], $0xffff;
	[tilespmem:s29+$0xFFFFFFD0] =	vst v2;
	v2 =	vtrunc.f32 v5  }
0xe5: {  	[tilespmem:s29+$0xFFFFFFE0] =	vst v3;
	v5 =	vcvt.f32.s32 v2;
	v2 =	vld.idx.msk [tilespmem:v15+s17+$0x0], $0xffff;
	v3 =	vmin.f32 v11, $2.550000000e+02;
	v11 =	vadd.f32 v14, v10  }
0xe6: {  	[tilespmem:s29+$0xFFFFFFF0] =	vst v14;
	v12 =	vmax.f32 v9, $0.0e+00;
	v3 =	vtrunc.f32 v3;
	v10 =	vmul.f32 v8, v0;
	v8 =	vld [tilespmem:s30+$0x30]  }
0xe7: {  	s31 =	simm.s32 $0x80;
	s0 =	simm.s32 $0x8140;
	[tilespmem:s29+$0x0] =	vst v16;
	v12 =	vmin.f32 v12, $2.550000000e+02;
	v9 =	vcvt.f32.s32 v3;
	v3 =	vld.idx.msk [tilespmem:v17+s17+$0x0], $0xffff;
	v11 =	vadd.f32 v16, v11  }
.LBB2_8:
0xe8: {  	v13 =	vld [tilespmem:s0+$0xFFFFFFC0];
	v12 =	vtrunc.f32 v12;
	v10 =	vmax.f32 v10, $0.0e+00;
	v6 =	vmul.f32 v6, v0  }
0xe9: {  	s31 =	sadd.s32 $0x80, s31;
	v4 =	vld.idx.msk [tilespmem:v4+s17+$0x0], $0xffff;
	v12 =	vcvt.f32.s32 v12;
	v10 =	vmin.f32 v10, $2.550000000e+02;
	[tilespmem:s29+$0x10] =	vst v1;
	v1 =	vadd.f32 v1, v11  }
0xea: {  	p0 =	slt.u32 s31, $0x7F80;
	v7 =	vmul.f32 v7, v0;
	v11 =	vld [tilespmem:s0+$0xFFFFFFD0];
	v10 =	vtrunc.f32 v10;
	v6 =	vmax.f32 v6, $0.0e+00  }
0xeb: {  	v5 =	vld.idx.msk [tilespmem:v5+s17+$0x0], $0xffff;
	v10 =	vcvt.f32.s32 v10;
	v6 =	vmin.f32 v6, $2.550000000e+02;
	[tilespmem:s29+$0x20] =	vst v2;
	v1 =	vadd.f32 v2, v1  }
0xec: {  	v7 =	vmax.f32 v7, $0.0e+00;
	v8 =	vmul.f32 v8, v0;
	v2 =	vld [tilespmem:s0+$0xFFFFFFE0];
	v6 =	vtrunc.f32 v6  }
0xed: {  	v9 =	vld.idx.msk [tilespmem:v9+s17+$0x0], $0xffff;
	v14 =	vcvt.f32.s32 v6;
	v6 =	vmin.f32 v7, $2.550000000e+02;
	[tilespmem:s29+$0x30] =	vst v3;
	v1 =	vadd.f32 v3, v1;
	s29 =	smov.u32 s30;
	s30 =	smov.u32 s0  }
0xee: {  	v3 =	vmul.f32 v13, v0;
	v8 =	vmax.f32 v8, $0.0e+00;
	v7 =	vld [tilespmem:s0+$0xFFFFFFF0];
	v6 =	vtrunc.f32 v6  }
0xef: {  	[tilespmem:s29+$0xFFFFFFC0] =	vst v4;
	v1 =	vadd.f32 v4, v1;
	v12 =	vld.idx.msk [tilespmem:v12+s17+$0x0], $0xffff;
	v13 =	vcvt.f32.s32 v6;
	v4 =	vmin.f32 v8, $2.550000000e+02  }
0xf0: {  	v3 =	vmax.f32 v3, $0.0e+00;
	v6 =	vmul.f32 v11, v0;
	v8 =	vld [tilespmem:s0+$0x0];
	v4 =	vtrunc.f32 v4  }
0xf1: {  	v3 =	vmin.f32 v3, $2.550000000e+02;
	[tilespmem:s29+$0xFFFFFFD0] =	vst v5;
	v1 =	vadd.f32 v5, v1;
	v11 =	vld.idx.msk [tilespmem:v10+s17+$0x0], $0xffff;
	v15 =	vcvt.f32.s32 v4  }
0xf2: {  	v3 =	vtrunc.f32 v3;
	v5 =	vmax.f32 v6, $0.0e+00;
	v2 =	vmul.f32 v2, v0;
	v6 =	vld [tilespmem:s0+$0x10]  }
.Ltmp3:
0xf3: {  	v4 =	vcvt.f32.s32 v3;
	v3 =	vmin.f32 v5, $2.550000000e+02;
	[tilespmem:s29+$0xFFFFFFE0] =	vst v9;
	v9 =	vadd.f32 v9, v1;
	v1 =	vld.idx.msk [tilespmem:v14+s17+$0x0], $0xffff;
	(pc) =	sbr.rel @p0 .LBB2_8-.Ltmp3, $4  }
0xf4: {  	v3 =	vtrunc.f32 v3;
	v2 =	vmax.f32 v2, $0.0e+00;
	v10 =	vmul.f32 v7, v0;
	v7 =	vld [tilespmem:s0+$0x20]  }
0xf5: {  	v5 =	vcvt.f32.s32 v3;
	v3 =	vmin.f32 v2, $2.550000000e+02;
	[tilespmem:s29+$0xFFFFFFF0] =	vst v12;
	v14 =	vadd.f32 v12, v9;
	v2 =	vld.idx.msk [tilespmem:v13+s17+$0x0], $0xffff  }
0xf6: {  	v3 =	vtrunc.f32 v3;
	v12 =	vmax.f32 v10, $0.0e+00;
	v10 =	vmul.f32 v8, v0;
	v8 =	vld [tilespmem:s0+$0x30]  }
0xf7: {  	v9 =	vcvt.f32.s32 v3;
	v12 =	vmin.f32 v12, $2.550000000e+02;
	s0 =	sadd.s32 $0x80, s0;
	[tilespmem:s29+$0x0] =	vst v11;
	v11 =	vadd.f32 v11, v14;
	v3 =	vld.idx.msk [tilespmem:v15+s17+$0x0], $0xffff  }
0xf8: {  	_ =	sdelay $0x1  }
0xf9: {  	v10 =	vmax.f32 v10, $0.0e+00  }
0xfa: {  	v6 =	vmul.f32 v6, v0;
	v12 =	vtrunc.f32 v12;
	v11 =	vadd.f32 v1, v11  }
0xfb: {  	v4 =	vld.idx.msk [tilespmem:v4+s17+$0x0], $0xffff;
	v10 =	vmin.f32 v10, $2.550000000e+02;
	v12 =	vcvt.f32.s32 v12;
	v7 =	vmul.f32 v7, v0  }
0xfc: {  	v10 =	vtrunc.f32 v10;
	v6 =	vmax.f32 v6, $0.0e+00;
	v11 =	vadd.f32 v2, v11  }
0xfd: {  	v5 =	vld.idx.msk [tilespmem:v5+s17+$0x0], $0xffff;
	v6 =	vmin.f32 v6, $2.550000000e+02;
	v10 =	vcvt.f32.s32 v10;
	v7 =	vmax.f32 v7, $0.0e+00  }
0xfe: {  	v8 =	vmul.f32 v8, v0;
	v6 =	vtrunc.f32 v6;
	v11 =	vadd.f32 v3, v11  }
0xff: {  	v9 =	vld.idx.msk [tilespmem:v9+s17+$0x0], $0xffff;
	v7 =	vmin.f32 v7, $2.550000000e+02;
	v6 =	vcvt.f32.s32 v6  }
0x100: {  	v7 =	vtrunc.f32 v7;
	v8 =	vmax.f32 v8, $0.0e+00;
	v11 =	vadd.f32 v4, v11  }
0x101: {  	v7 =	vcvt.f32.s32 v7;
	v8 =	vmin.f32 v8, $2.550000000e+02;
	v12 =	vld.idx.msk [tilespmem:v12+s17+$0x0], $0xffff  }
0x102: {  	v8 =	vtrunc.f32 v8;
	v11 =	vadd.f32 v5, v11  }
0x103: {  	v8 =	vcvt.f32.s32 v8;
	v10 =	vld.idx.msk [tilespmem:v10+s17+$0x0], $0xffff  }
0x104: {  	v11 =	vadd.f32 v9, v11  }
0x105: {  	v6 =	vld.idx.msk [tilespmem:v6+s17+$0x0], $0xffff  }
0x106: {  	v11 =	vadd.f32 v12, v11  }
0x107: {  	v7 =	vld.idx.msk [tilespmem:v7+s17+$0x0], $0xffff  }
0x108: {  	v11 =	vadd.f32 v10, v11  }
0x109: {  	v8 =	vld.idx.msk [tilespmem:v8+s17+$0x0], $0xffff  }
0x10a: {  	v11 =	vadd.f32 v6, v11;
	_ =	sdelay $0x1  }
0x10b: {  	v11 =	vadd.f32 v7, v11;
	_ =	sdelay $0x1  }
0x10c: {  	v11 =	vadd.f32 v8, v11;
	_ =	sdelay $0x1  }
0x10d: {  	(xrf2) =	vadd.scan.msk.f32 $0xffff, v11;
	_ =	sdelay $0x9  }
0x10e: {  	v11, _, _ =	vpop (xrf2)  }
0x10f: {  	v11 =	vbroadcast v11, $0xF  }
0x110: {  	[tilespmem:s29+$0x10] =	vst v1  }
0x111: {  	[tilespmem:s29+$0x20] =	vst v2;
	(erf) = vrcp.f32 v11  }
0x112: {  	[tilespmem:s29+$0x30] =	vst v3  }
0x113: {  	[tilespmem:s30+$0xFFFFFFC0] =	vst v4  }
0x114: {  	[tilespmem:s30+$0xFFFFFFD0] =	vst v5  }
0x115: {  	[tilespmem:s30+$0xFFFFFFE0] =	vst v9  }
0x116: {  	[tilespmem:s30+$0xFFFFFFF0] =	vst v12  }
0x117: {  	[tilespmem:s30+$0x0] =	vst v10  }
0x118: {  	[tilespmem:s30+$0x10] =	vst v6  }
0x119: {  	[tilespmem:s30+$0x20] =	vst v7  }
0x11a: {  	[tilespmem:s30+$0x30] =	vst v8;
	v1 =	vpop (erf)  }
0x11b: {  	_ =	swait.ge [sflag:s20], $0x8000  }
0x11c: {  	[sflag:s20] =	ssyncset.done $0x0  }
0x11d: {  	s0 =	simm.s32 $0x8040;
	[sflag:s20] =	ssyncadd.s32 $0xFFFF8000  }
0x11e: {  	[tilespmem:s3], [sflag:$0x1] =	stream.strided.gather [hbm4b:s9+s15], $0x8000, s16, s15, $0x38;
	[tilespmem:$0x18100] =	vst v63  }
0x11f: {  	v4 =	vld [tilespmem:s0+$0x30]  }
0x120: {  	v6 =	vld [tilespmem:s0+$0xFFFFFFD0]  }
0x121: {  	v8 =	vld [tilespmem:s0+$0xFFFFFFE0]  }
0x122: {  	v5 =	vld [tilespmem:s0+$0xFFFFFFF0]  }
0x123: {  	v3 =	vld [tilespmem:s0+$0x0]  }
0x124: {  	v2 =	vld [tilespmem:s0+$0x10];
	v9 =	vmul.f32 v4, v1  }
0x125: {  	v4 =	vld [tilespmem:s0+$0x20];
	v7 =	vmul.f32 v6, v1  }
0x126: {  	s29 =	simm.s32 $0x0;
	s30 =	simm.s32 $0x80C0;
	v6 =	vld [tilespmem:s0+$0xFFFFFFC0];
	v8 =	vmul.f32 v8, v1;
	[tilespmem:s0+$0x30] =	vst v9  }
.LBB2_10:
0x127: {  	v9 =	vld [tilespmem:s30+$0x30];
	s29 =	sadd.s32 $0x80, s29;
	[tilespmem:s0+$0xFFFFFFD0] =	vst v7;
	v5 =	vmul.f32 v5, v1  }
0x128: {  	v7 =	vld [tilespmem:s30+$0xFFFFFFD0];
	p0 =	slt.u32 s29, $0x7F80;
	[tilespmem:s0+$0xFFFFFFE0] =	vst v8;
	v3 =	vmul.f32 v3, v1  }
0x129: {  	v8 =	vld [tilespmem:s30+$0xFFFFFFE0];
	[tilespmem:s0+$0xFFFFFFF0] =	vst v5;
	v2 =	vmul.f32 v2, v1  }
.Ltmp4:
0x12a: {  	v5 =	vld [tilespmem:s30+$0xFFFFFFF0];
	[tilespmem:s0+$0x0] =	vst v3;
	v4 =	vmul.f32 v4, v1;
	(pc) =	sbr.rel @p0 .LBB2_10-.Ltmp4, $4  }
0x12b: {  	v3 =	vld [tilespmem:s30+$0x0];
	v6 =	vmul.f32 v6, v1;
	[tilespmem:s0+$0x10] =	vst v2  }
0x12c: {  	v2 =	vld [tilespmem:s30+$0x10];
	v9 =	vmul.f32 v9, v1;
	[tilespmem:s0+$0x20] =	vst v4  }
0x12d: {  	v7 =	vmul.f32 v7, v1;
	v4 =	vld [tilespmem:s30+$0x20];
	[tilespmem:s0+$0xFFFFFFC0] =	vst v6;
	s0 =	smov.u32 s30  }
0x12e: {  	s30 =	sadd.s32 $0x80, s30;
	v6 =	vld [tilespmem:s0+$0xFFFFFFC0];
	v8 =	vmul.f32 v8, v1;
	[tilespmem:s0+$0x30] =	vst v9  }
0x12f: {  	[tilespmem:s0+$0xFFFFFFD0] =	vst v7;
	v5 =	vmul.f32 v5, v1  }
0x130: {  	[tilespmem:s0+$0xFFFFFFE0] =	vst v8;
	v3 =	vmul.f32 v3, v1  }
0x131: {  	[tilespmem:s0+$0xFFFFFFF0] =	vst v5;
	v2 =	vmul.f32 v2, v1  }
0x132: {  	[tilespmem:s0+$0x0] =	vst v3;
	v3 =	vmul.f32 v4, v1  }
0x133: {  	v1 =	vmul.f32 v6, v1;
	[tilespmem:s0+$0x10] =	vst v2  }
0x134: {  	[tilespmem:s0+$0x20] =	vst v3  }
0x135: {  	[tilespmem:s0+$0xFFFFFFC0] =	vst v1  }
0x136: {  	[hbm4b:s10+s15] =	stream.strided.scatter [tilespmem:s19], [sflag:$0x5], $0x8000, s16, s15, $0x38;
	[tilespmem:$0x18100] =	vst v63  }
0x137: {  	_ =	swait.ge [sflag:s25], $0x8000  }
0x138: {  	[sflag:s25] =	ssyncset.done $0x0  }
0x139: {  	s29 =	simm.s32 $0x10040;
	[sflag:s25] =	ssyncadd.s32 $0xFFFF8000  }
0x13a: {  	v1 =	vld [tilespmem:s29+$0xFFFFFFC0]  }
0x13b: {  	v2 =	vld [tilespmem:s29+$0xFFFFFFD0]  }
0x13c: {  	v3 =	vld [tilespmem:s29+$0xFFFFFFE0]  }
0x13d: {  	v4 =	vld [tilespmem:s29+$0xFFFFFFF0]  }
0x13e: {  	v5 =	vld [tilespmem:s29+$0x0]  }
0x13f: {  	v6 =	vld [tilespmem:s29+$0x10];
	v1 =	vmul.f32 v1, v0  }
0x140: {  	v7 =	vld [tilespmem:s29+$0x20]  }
0x141: {  	v2 =	vmul.f32 v2, v0;
	v1 =	vmax.f32 v1, $0.0e+00  }
0x142: {  	v3 =	vmul.f32 v3, v0;
	v4 =	vmul.f32 v4, v0;
	v1 =	vmin.f32 v1, $2.550000000e+02  }
0x143: {  	v5 =	vmul.f32 v5, v0;
	v2 =	vmax.f32 v2, $0.0e+00;
	v1 =	vtrunc.f32 v1  }
0x144: {  	v6 =	vmul.f32 v6, v0;
	v2 =	vmin.f32 v2, $2.550000000e+02;
	v1 =	vcvt.f32.s32 v1  }
0x145: {  	v7 =	vmul.f32 v7, v0;
	v3 =	vmax.f32 v3, $0.0e+00;
	v2 =	vtrunc.f32 v2  }
0x146: {  	s30 =	simm.s32 $0x100C0;
	v8 =	vld [tilespmem:s29+$0x30];
	v4 =	vmax.f32 v4, $0.0e+00;
	v3 =	vmin.f32 v3, $2.550000000e+02;
	v2 =	vcvt.f32.s32 v2  }
0x147: {  	v9 =	vld [tilespmem:s30+$0xFFFFFFC0];
	v5 =	vmax.f32 v5, $0.0e+00;
	v4 =	vmin.f32 v4, $2.550000000e+02;
	v3 =	vtrunc.f32 v3  }
0x148: {  	v5 =	vmin.f32 v5, $2.550000000e+02;
	v4 =	vtrunc.f32 v4;
	v3 =	vcvt.f32.s32 v3  }
0x149: {  	v10 =	vld [tilespmem:s30+$0xFFFFFFD0];
	v6 =	vmax.f32 v6, $0.0e+00;
	v5 =	vtrunc.f32 v5;
	v4 =	vcvt.f32.s32 v4  }
0x14a: {  	v6 =	vmin.f32 v6, $2.550000000e+02;
	v5 =	vcvt.f32.s32 v5;
	v1 =	vld.idx.msk [tilespmem:v1+s17+$0x0], $0xffff  }
0x14b: {  	v11 =	vld [tilespmem:s30+$0xFFFFFFE0];
	v8 =	vmul.f32 v8, v0;
	v7 =	vmax.f32 v7, $0.0e+00;
	v6 =	vtrunc.f32 v6  }
0x14c: {  	v13 =	vcvt.f32.s32 v6;
	v6 =	vmin.f32 v7, $2.550000000e+02;
	v7 =	vmul.f32 v9, v0;
	v2 =	vld.idx.msk [tilespmem:v2+s17+$0x0], $0xffff  }
0x14d: {  	v12 =	vimm.f32 $0.0e+00;
	v8 =	vmax.f32 v8, $0.0e+00;
	v9 =	vld [tilespmem:s30+$0xFFFFFFF0];
	v6 =	vtrunc.f32 v6  }
0x14e: {  	v15 =	vcvt.f32.s32 v6;
	v6 =	vmax.f32 v7, $0.0e+00;
	v7 =	vmul.f32 v10, v0;
	v3 =	vld.idx.msk [tilespmem:v3+s17+$0x0], $0xffff  }
0x14f: {  	v14 =	vld.idx.msk [tilespmem:v4+s17+$0x0], $0xffff;
	v4 =	vmin.f32 v8, $2.550000000e+02;
	v12 =	vadd.f32 v1, v12  }
0x150: {  	v6 =	vmin.f32 v6, $2.550000000e+02;
	v16 =	vld.idx.msk [tilespmem:v5+s17+$0x0], $0xffff;
	v5 =	vmax.f32 v7, $0.0e+00;
	v4 =	vtrunc.f32 v4  }
0x151: {  	v8 =	vld [tilespmem:s30+$0x0];
	v7 =	vmul.f32 v11, v0;
	v17 =	vcvt.f32.s32 v4;
	v10 =	vadd.f32 v2, v12  }
0x152: {  	v5 =	vmin.f32 v5, $2.550000000e+02;
	v4 =	vtrunc.f32 v6;
	v6 =	vld [tilespmem:s30+$0x10]  }
0x153: {  	v11 =	vmax.f32 v7, $0.0e+00;
	v7 =	vld [tilespmem:s30+$0x20];
	v4 =	vcvt.f32.s32 v4;
	[tilespmem:s29+$0xFFFFFFC0] =	vst v1;
	v10 =	vadd.f32 v3, v10  }
0x154: {  	v9 =	vmul.f32 v9, v0;
	v1 =	vld.idx.msk [tilespmem:v13+s17+$0x0], $0xffff;
	[tilespmem:s29+$0xFFFFFFD0] =	vst v2;
	v2 =	vtrunc.f32 v5  }
0x155: {  	[tilespmem:s29+$0xFFFFFFE0] =	vst v3;
	v5 =	vcvt.f32.s32 v2;
	v2 =	vld.idx.msk [tilespmem:v15+s17+$0x0], $0xffff;
	v3 =	vmin.f32 v11, $2.550000000e+02;
	v11 =	vadd.f32 v14, v10  }
0x156: {  	[tilespmem:s29+$0xFFFFFFF0] =	vst v14;
	v12 =	vmax.f32 v9, $0.0e+00;
	v3 =	vtrunc.f32 v3;
	v10 =	vmul.f32 v8, v0;
	v8 =	vld [tilespmem:s30+$0x30]  }
0x157: {  	s31 =	simm.s32 $0x80;
	s0 =	simm.s32 $0x10140;
	[tilespmem:s29+$0x0] =	vst v16;
	v12 =	vmin.f32 v12, $2.550000000e+02;
	v9 =	vcvt.f32.s32 v3;
	v3 =	vld.idx.msk [tilespmem:v17+s17+$0x0], $0xffff;
	v11 =	vadd.f32 v16, v11  }
.LBB2_12:
0x158: {  	v13 =	vld [tilespmem:s0+$0xFFFFFFC0];
	v12 =	vtrunc.f32 v12;
	v10 =	vmax.f32 v10, $0.0e+00;
	v6 =	vmul.f32 v6, v0  }
0x159: {  	s31 =	sadd.s32 $0x80, s31;
	v4 =	vld.idx.msk [tilespmem:v4+s17+$0x0], $0xffff;
	v12 =	vcvt.f32.s32 v12;
	v10 =	vmin.f32 v10, $2.550000000e+02;
	[tilespmem:s29+$0x10] =	vst v1;
	v1 =	vadd.f32 v1, v11  }
0x15a: {  	p0 =	slt.u32 s31, $0x7F80;
	v7 =	vmul.f32 v7, v0;
	v11 =	vld [tilespmem:s0+$0xFFFFFFD0];
	v10 =	vtrunc.f32 v10;
	v6 =	vmax.f32 v6, $0.0e+00  }
0x15b: {  	v5 =	vld.idx.msk [tilespmem:v5+s17+$0x0], $0xffff;
	v10 =	vcvt.f32.s32 v10;
	v6 =	vmin.f32 v6, $2.550000000e+02;
	[tilespmem:s29+$0x20] =	vst v2;
	v1 =	vadd.f32 v2, v1  }
0x15c: {  	v7 =	vmax.f32 v7, $0.0e+00;
	v8 =	vmul.f32 v8, v0;
	v2 =	vld [tilespmem:s0+$0xFFFFFFE0];
	v6 =	vtrunc.f32 v6  }
0x15d: {  	v9 =	vld.idx.msk [tilespmem:v9+s17+$0x0], $0xffff;
	v14 =	vcvt.f32.s32 v6;
	v6 =	vmin.f32 v7, $2.550000000e+02;
	[tilespmem:s29+$0x30] =	vst v3;
	v1 =	vadd.f32 v3, v1;
	s29 =	smov.u32 s30;
	s30 =	smov.u32 s0  }
0x15e: {  	v3 =	vmul.f32 v13, v0;
	v8 =	vmax.f32 v8, $0.0e+00;
	v7 =	vld [tilespmem:s0+$0xFFFFFFF0];
	v6 =	vtrunc.f32 v6  }
0x15f: {  	[tilespmem:s29+$0xFFFFFFC0] =	vst v4;
	v1 =	vadd.f32 v4, v1;
	v12 =	vld.idx.msk [tilespmem:v12+s17+$0x0], $0xffff;
	v13 =	vcvt.f32.s32 v6;
	v4 =	vmin.f32 v8, $2.550000000e+02  }
0x160: {  	v3 =	vmax.f32 v3, $0.0e+00;
	v6 =	vmul.f32 v11, v0;
	v8 =	vld [tilespmem:s0+$0x0];
	v4 =	vtrunc.f32 v4  }
0x161: {  	v3 =	vmin.f32 v3, $2.550000000e+02;
	[tilespmem:s29+$0xFFFFFFD0] =	vst v5;
	v1 =	vadd.f32 v5, v1;
	v11 =	vld.idx.msk [tilespmem:v10+s17+$0x0], $0xffff;
	v15 =	vcvt.f32.s32 v4  }
0x162: {  	v3 =	vtrunc.f32 v3;
	v5 =	vmax.f32 v6, $0.0e+00;
	v2 =	vmul.f32 v2, v0;
	v6 =	vld [tilespmem:s0+$0x10]  }
.Ltmp5:
0x163: {  	v4 =	vcvt.f32.s32 v3;
	v3 =	vmin.f32 v5, $2.550000000e+02;
	[tilespmem:s29+$0xFFFFFFE0] =	vst v9;
	v9 =	vadd.f32 v9, v1;
	v1 =	vld.idx.msk [tilespmem:v14+s17+$0x0], $0xffff;
	(pc) =	sbr.rel @p0 .LBB2_12-.Ltmp5, $4  }
0x164: {  	v3 =	vtrunc.f32 v3;
	v2 =	vmax.f32 v2, $0.0e+00;
	v10 =	vmul.f32 v7, v0;
	v7 =	vld [tilespmem:s0+$0x20]  }
0x165: {  	v5 =	vcvt.f32.s32 v3;
	v3 =	vmin.f32 v2, $2.550000000e+02;
	[tilespmem:s29+$0xFFFFFFF0] =	vst v12;
	v14 =	vadd.f32 v12, v9;
	v2 =	vld.idx.msk [tilespmem:v13+s17+$0x0], $0xffff  }
0x166: {  	v3 =	vtrunc.f32 v3;
	v12 =	vmax.f32 v10, $0.0e+00;
	v10 =	vmul.f32 v8, v0;
	v8 =	vld [tilespmem:s0+$0x30]  }
0x167: {  	v9 =	vcvt.f32.s32 v3;
	v12 =	vmin.f32 v12, $2.550000000e+02;
	s0 =	sadd.s32 $0x80, s0;
	[tilespmem:s29+$0x0] =	vst v11;
	v11 =	vadd.f32 v11, v14;
	v3 =	vld.idx.msk [tilespmem:v15+s17+$0x0], $0xffff  }
0x168: {  	_ =	sdelay $0x1  }
0x169: {  	v10 =	vmax.f32 v10, $0.0e+00  }
0x16a: {  	v6 =	vmul.f32 v6, v0;
	v12 =	vtrunc.f32 v12;
	v11 =	vadd.f32 v1, v11  }
0x16b: {  	v4 =	vld.idx.msk [tilespmem:v4+s17+$0x0], $0xffff;
	v10 =	vmin.f32 v10, $2.550000000e+02;
	v12 =	vcvt.f32.s32 v12;
	v7 =	vmul.f32 v7, v0  }
0x16c: {  	v10 =	vtrunc.f32 v10;
	v6 =	vmax.f32 v6, $0.0e+00;
	v11 =	vadd.f32 v2, v11  }
0x16d: {  	v5 =	vld.idx.msk [tilespmem:v5+s17+$0x0], $0xffff;
	v6 =	vmin.f32 v6, $2.550000000e+02;
	v10 =	vcvt.f32.s32 v10;
	v7 =	vmax.f32 v7, $0.0e+00  }
0x16e: {  	v8 =	vmul.f32 v8, v0;
	v6 =	vtrunc.f32 v6;
	v11 =	vadd.f32 v3, v11  }
0x16f: {  	v9 =	vld.idx.msk [tilespmem:v9+s17+$0x0], $0xffff;
	v7 =	vmin.f32 v7, $2.550000000e+02;
	v6 =	vcvt.f32.s32 v6  }
0x170: {  	v7 =	vtrunc.f32 v7;
	v8 =	vmax.f32 v8, $0.0e+00;
	v11 =	vadd.f32 v4, v11  }
0x171: {  	v7 =	vcvt.f32.s32 v7;
	v8 =	vmin.f32 v8, $2.550000000e+02;
	v12 =	vld.idx.msk [tilespmem:v12+s17+$0x0], $0xffff  }
0x172: {  	v8 =	vtrunc.f32 v8;
	v11 =	vadd.f32 v5, v11  }
0x173: {  	v8 =	vcvt.f32.s32 v8;
	v10 =	vld.idx.msk [tilespmem:v10+s17+$0x0], $0xffff  }
0x174: {  	v11 =	vadd.f32 v9, v11  }
0x175: {  	v6 =	vld.idx.msk [tilespmem:v6+s17+$0x0], $0xffff  }
0x176: {  	v11 =	vadd.f32 v12, v11  }
0x177: {  	v7 =	vld.idx.msk [tilespmem:v7+s17+$0x0], $0xffff  }
0x178: {  	v11 =	vadd.f32 v10, v11  }
0x179: {  	v8 =	vld.idx.msk [tilespmem:v8+s17+$0x0], $0xffff  }
0x17a: {  	v11 =	vadd.f32 v6, v11;
	_ =	sdelay $0x1  }
0x17b: {  	v11 =	vadd.f32 v7, v11;
	_ =	sdelay $0x1  }
0x17c: {  	v11 =	vadd.f32 v8, v11;
	_ =	sdelay $0x1  }
0x17d: {  	(xrf2) =	vadd.scan.msk.f32 $0xffff, v11;
	_ =	sdelay $0x9  }
0x17e: {  	v11, _, _ =	vpop (xrf2)  }
0x17f: {  	v11 =	vbroadcast v11, $0xF  }
0x180: {  	[tilespmem:s29+$0x10] =	vst v1  }
0x181: {  	[tilespmem:s29+$0x20] =	vst v2;
	(erf) = vrcp.f32 v11  }
0x182: {  	[tilespmem:s29+$0x30] =	vst v3  }
0x183: {  	[tilespmem:s30+$0xFFFFFFC0] =	vst v4  }
0x184: {  	[tilespmem:s30+$0xFFFFFFD0] =	vst v5  }
0x185: {  	[tilespmem:s30+$0xFFFFFFE0] =	vst v9  }
0x186: {  	[tilespmem:s30+$0xFFFFFFF0] =	vst v12  }
0x187: {  	[tilespmem:s30+$0x0] =	vst v10  }
0x188: {  	[tilespmem:s30+$0x10] =	vst v6  }
0x189: {  	[tilespmem:s30+$0x20] =	vst v7  }
0x18a: {  	[tilespmem:s30+$0x30] =	vst v8;
	v1 =	vpop (erf)  }
0x18b: {  	_ =	swait.ge [sflag:s22], $0x8000  }
0x18c: {  	[sflag:s22] =	ssyncset.done $0x0  }
0x18d: {  	s0 =	simm.s32 $0x10040;
	[sflag:s22] =	ssyncadd.s32 $0xFFFF8000  }
0x18e: {  	v4 =	vld [tilespmem:s0+$0x30]  }
0x18f: {  	v6 =	vld [tilespmem:s0+$0xFFFFFFD0]  }
0x190: {  	v8 =	vld [tilespmem:s0+$0xFFFFFFE0]  }
0x191: {  	v5 =	vld [tilespmem:s0+$0xFFFFFFF0]  }
0x192: {  	v3 =	vld [tilespmem:s0+$0x0]  }
0x193: {  	v2 =	vld [tilespmem:s0+$0x10];
	v9 =	vmul.f32 v4, v1  }
0x194: {  	v4 =	vld [tilespmem:s0+$0x20];
	v7 =	vmul.f32 v6, v1  }
0x195: {  	s29 =	simm.s32 $0x0;
	s30 =	simm.s32 $0x100C0;
	v6 =	vld [tilespmem:s0+$0xFFFFFFC0];
	v8 =	vmul.f32 v8, v1;
	[tilespmem:s0+$0x30] =	vst v9  }
.LBB2_14:
0x196: {  	v9 =	vld [tilespmem:s30+$0x30];
	s29 =	sadd.s32 $0x80, s29;
	[tilespmem:s0+$0xFFFFFFD0] =	vst v7;
	v5 =	vmul.f32 v5, v1  }
0x197: {  	v7 =	vld [tilespmem:s30+$0xFFFFFFD0];
	p0 =	slt.u32 s29, $0x7F80;
	[tilespmem:s0+$0xFFFFFFE0] =	vst v8;
	v3 =	vmul.f32 v3, v1  }
0x198: {  	v8 =	vld [tilespmem:s30+$0xFFFFFFE0];
	[tilespmem:s0+$0xFFFFFFF0] =	vst v5;
	v2 =	vmul.f32 v2, v1  }
.Ltmp6:
0x199: {  	v5 =	vld [tilespmem:s30+$0xFFFFFFF0];
	[tilespmem:s0+$0x0] =	vst v3;
	v4 =	vmul.f32 v4, v1;
	(pc) =	sbr.rel @p0 .LBB2_14-.Ltmp6, $4  }
0x19a: {  	v3 =	vld [tilespmem:s30+$0x0];
	v6 =	vmul.f32 v6, v1;
	[tilespmem:s0+$0x10] =	vst v2  }
0x19b: {  	v2 =	vld [tilespmem:s30+$0x10];
	v9 =	vmul.f32 v9, v1;
	[tilespmem:s0+$0x20] =	vst v4  }
0x19c: {  	v7 =	vmul.f32 v7, v1;
	v4 =	vld [tilespmem:s30+$0x20];
	[tilespmem:s0+$0xFFFFFFC0] =	vst v6;
	s0 =	smov.u32 s30  }
0x19d: {  	s30 =	sadd.s32 $0x80, s30;
	v6 =	vld [tilespmem:s0+$0xFFFFFFC0];
	v8 =	vmul.f32 v8, v1;
	[tilespmem:s0+$0x30] =	vst v9  }
0x19e: {  	[tilespmem:s0+$0xFFFFFFD0] =	vst v7;
	v5 =	vmul.f32 v5, v1  }
0x19f: {  	[tilespmem:s0+$0xFFFFFFE0] =	vst v8;
	v3 =	vmul.f32 v3, v1  }
0x1a0: {  	[tilespmem:s0+$0xFFFFFFF0] =	vst v5;
	v2 =	vmul.f32 v2, v1  }
0x1a1: {  	[tilespmem:s0+$0x0] =	vst v3;
	v3 =	vmul.f32 v4, v1  }
0x1a2: {  	v1 =	vmul.f32 v6, v1;
	[tilespmem:s0+$0x10] =	vst v2  }
0x1a3: {  	[tilespmem:s0+$0x20] =	vst v3  }
0x1a4: {  	[tilespmem:s0+$0xFFFFFFC0] =	vst v1  }
0x1a5: {  	[hbm4b:s11+s15] =	stream.strided.scatter [tilespmem:s23], [sflag:$0x6], $0x8000, s16, s15, $0x38;
	[tilespmem:$0x18100] =	vst v63  }
0x1a6: {  	_ =	swait.ge [sflag:s21], $0x8000  }
0x1a7: {  	[sflag:s21] =	ssyncset.done $0x0  }
0x1a8: {  	s29 =	simm.s32 $0x40;
	[sflag:s21] =	ssyncadd.s32 $0xFFFF8000  }
0x1a9: {  	v1 =	vld [tilespmem:s29+$0xFFFFFFC0]  }
0x1aa: {  	v2 =	vld [tilespmem:s29+$0xFFFFFFD0]  }
0x1ab: {  	v3 =	vld [tilespmem:s29+$0xFFFFFFE0]  }
0x1ac: {  	v4 =	vld [tilespmem:s29+$0xFFFFFFF0]  }
0x1ad: {  	v5 =	vld [tilespmem:s29+$0x0]  }
0x1ae: {  	v6 =	vld [tilespmem:s29+$0x10];
	v1 =	vmul.f32 v1, v0  }
0x1af: {  	v7 =	vld [tilespmem:s29+$0x20]  }
0x1b0: {  	v2 =	vmul.f32 v2, v0;
	v1 =	vmax.f32 v1, $0.0e+00  }
0x1b1: {  	v3 =	vmul.f32 v3, v0;
	v4 =	vmul.f32 v4, v0;
	v1 =	vmin.f32 v1, $2.550000000e+02  }
0x1b2: {  	v5 =	vmul.f32 v5, v0;
	v2 =	vmax.f32 v2, $0.0e+00;
	v1 =	vtrunc.f32 v1  }
0x1b3: {  	v6 =	vmul.f32 v6, v0;
	v2 =	vmin.f32 v2, $2.550000000e+02;
	v1 =	vcvt.f32.s32 v1  }
0x1b4: {  	v7 =	vmul.f32 v7, v0;
	v3 =	vmax.f32 v3, $0.0e+00;
	v2 =	vtrunc.f32 v2  }
0x1b5: {  	s30 =	simm.s32 $0xC0;
	v8 =	vld [tilespmem:s29+$0x30];
	v4 =	vmax.f32 v4, $0.0e+00;
	v3 =	vmin.f32 v3, $2.550000000e+02;
	v2 =	vcvt.f32.s32 v2  }
0x1b6: {  	v9 =	vld [tilespmem:s30+$0xFFFFFFC0];
	v5 =	vmax.f32 v5, $0.0e+00;
	v4 =	vmin.f32 v4, $2.550000000e+02;
	v3 =	vtrunc.f32 v3  }
0x1b7: {  	v5 =	vmin.f32 v5, $2.550000000e+02;
	v4 =	vtrunc.f32 v4;
	v3 =	vcvt.f32.s32 v3  }
0x1b8: {  	v10 =	vld [tilespmem:s30+$0xFFFFFFD0];
	v6 =	vmax.f32 v6, $0.0e+00;
	v5 =	vtrunc.f32 v5;
	v4 =	vcvt.f32.s32 v4  }
0x1b9: {  	v6 =	vmin.f32 v6, $2.550000000e+02;
	v5 =	vcvt.f32.s32 v5;
	v1 =	vld.idx.msk [tilespmem:v1+s17+$0x0], $0xffff  }
0x1ba: {  	v11 =	vld [tilespmem:s30+$0xFFFFFFE0];
	v8 =	vmul.f32 v8, v0;
	v7 =	vmax.f32 v7, $0.0e+00;
	v6 =	vtrunc.f32 v6  }
0x1bb: {  	v13 =	vcvt.f32.s32 v6;
	v6 =	vmin.f32 v7, $2.550000000e+02;
	v7 =	vmul.f32 v9, v0;
	v2 =	vld.idx.msk [tilespmem:v2+s17+$0x0], $0xffff  }
0x1bc: {  	v12 =	vimm.f32 $0.0e+00;
	v8 =	vmax.f32 v8, $0.0e+00;
	v9 =	vld [tilespmem:s30+$0xFFFFFFF0];
	v6 =	vtrunc.f32 v6  }
0x1bd: {  	v15 =	vcvt.f32.s32 v6;
	v6 =	vmax.f32 v7, $0.0e+00;
	v7 =	vmul.f32 v10, v0;
	v3 =	vld.idx.msk [tilespmem:v3+s17+$0x0], $0xffff  }
0x1be: {  	v14 =	vld.idx.msk [tilespmem:v4+s17+$0x0], $0xffff;
	v4 =	vmin.f32 v8, $2.550000000e+02;
	v12 =	vadd.f32 v1, v12  }
0x1bf: {  	v6 =	vmin.f32 v6, $2.550000000e+02;
	v16 =	vld.idx.msk [tilespmem:v5+s17+$0x0], $0xffff;
	v5 =	vmax.f32 v7, $0.0e+00;
	v4 =	vtrunc.f32 v4  }
0x1c0: {  	v8 =	vld [tilespmem:s30+$0x0];
	v7 =	vmul.f32 v11, v0;
	v17 =	vcvt.f32.s32 v4;
	v10 =	vadd.f32 v2, v12  }
0x1c1: {  	v5 =	vmin.f32 v5, $2.550000000e+02;
	v4 =	vtrunc.f32 v6;
	v6 =	vld [tilespmem:s30+$0x10]  }
0x1c2: {  	v11 =	vmax.f32 v7, $0.0e+00;
	v7 =	vld [tilespmem:s30+$0x20];
	v4 =	vcvt.f32.s32 v4;
	[tilespmem:s29+$0xFFFFFFC0] =	vst v1;
	v10 =	vadd.f32 v3, v10  }
0x1c3: {  	v9 =	vmul.f32 v9, v0;
	v1 =	vld.idx.msk [tilespmem:v13+s17+$0x0], $0xffff;
	[tilespmem:s29+$0xFFFFFFD0] =	vst v2;
	v2 =	vtrunc.f32 v5  }
0x1c4: {  	[tilespmem:s29+$0xFFFFFFE0] =	vst v3;
	v5 =	vcvt.f32.s32 v2;
	v2 =	vld.idx.msk [tilespmem:v15+s17+$0x0], $0xffff;
	v3 =	vmin.f32 v11, $2.550000000e+02;
	v11 =	vadd.f32 v14, v10  }
0x1c5: {  	[tilespmem:s29+$0xFFFFFFF0] =	vst v14;
	v12 =	vmax.f32 v9, $0.0e+00;
	v3 =	vtrunc.f32 v3;
	v10 =	vmul.f32 v8, v0;
	v8 =	vld [tilespmem:s30+$0x30]  }
0x1c6: {  	s31 =	simm.s32 $0x80;
	s0 =	simm.s32 $0x140;
	[tilespmem:s29+$0x0] =	vst v16;
	v12 =	vmin.f32 v12, $2.550000000e+02;
	v9 =	vcvt.f32.s32 v3;
	v3 =	vld.idx.msk [tilespmem:v17+s17+$0x0], $0xffff;
	v11 =	vadd.f32 v16, v11  }
.LBB2_16:
0x1c7: {  	v13 =	vld [tilespmem:s0+$0xFFFFFFC0];
	v12 =	vtrunc.f32 v12;
	v10 =	vmax.f32 v10, $0.0e+00;
	v6 =	vmul.f32 v6, v0  }
0x1c8: {  	s31 =	sadd.s32 $0x80, s31;
	v4 =	vld.idx.msk [tilespmem:v4+s17+$0x0], $0xffff;
	v12 =	vcvt.f32.s32 v12;
	v10 =	vmin.f32 v10, $2.550000000e+02;
	[tilespmem:s29+$0x10] =	vst v1;
	v1 =	vadd.f32 v1, v11  }
0x1c9: {  	p0 =	slt.u32 s31, $0x7F80;
	v7 =	vmul.f32 v7, v0;
	v11 =	vld [tilespmem:s0+$0xFFFFFFD0];
	v10 =	vtrunc.f32 v10;
	v6 =	vmax.f32 v6, $0.0e+00  }
0x1ca: {  	v5 =	vld.idx.msk [tilespmem:v5+s17+$0x0], $0xffff;
	v10 =	vcvt.f32.s32 v10;
	v6 =	vmin.f32 v6, $2.550000000e+02;
	[tilespmem:s29+$0x20] =	vst v2;
	v1 =	vadd.f32 v2, v1  }
0x1cb: {  	v7 =	vmax.f32 v7, $0.0e+00;
	v8 =	vmul.f32 v8, v0;
	v2 =	vld [tilespmem:s0+$0xFFFFFFE0];
	v6 =	vtrunc.f32 v6  }
0x1cc: {  	v9 =	vld.idx.msk [tilespmem:v9+s17+$0x0], $0xffff;
	v14 =	vcvt.f32.s32 v6;
	v6 =	vmin.f32 v7, $2.550000000e+02;
	[tilespmem:s29+$0x30] =	vst v3;
	v1 =	vadd.f32 v3, v1;
	s29 =	smov.u32 s30;
	s30 =	smov.u32 s0  }
0x1cd: {  	v3 =	vmul.f32 v13, v0;
	v8 =	vmax.f32 v8, $0.0e+00;
	v7 =	vld [tilespmem:s0+$0xFFFFFFF0];
	v6 =	vtrunc.f32 v6  }
0x1ce: {  	[tilespmem:s29+$0xFFFFFFC0] =	vst v4;
	v1 =	vadd.f32 v4, v1;
	v12 =	vld.idx.msk [tilespmem:v12+s17+$0x0], $0xffff;
	v13 =	vcvt.f32.s32 v6;
	v4 =	vmin.f32 v8, $2.550000000e+02  }
0x1cf: {  	v3 =	vmax.f32 v3, $0.0e+00;
	v6 =	vmul.f32 v11, v0;
	v8 =	vld [tilespmem:s0+$0x0];
	v4 =	vtrunc.f32 v4  }
0x1d0: {  	v3 =	vmin.f32 v3, $2.550000000e+02;
	[tilespmem:s29+$0xFFFFFFD0] =	vst v5;
	v1 =	vadd.f32 v5, v1;
	v11 =	vld.idx.msk [tilespmem:v10+s17+$0x0], $0xffff;
	v15 =	vcvt.f32.s32 v4  }
0x1d1: {  	v3 =	vtrunc.f32 v3;
	v5 =	vmax.f32 v6, $0.0e+00;
	v2 =	vmul.f32 v2, v0;
	v6 =	vld [tilespmem:s0+$0x10]  }
.Ltmp7:
0x1d2: {  	v4 =	vcvt.f32.s32 v3;
	v3 =	vmin.f32 v5, $2.550000000e+02;
	[tilespmem:s29+$0xFFFFFFE0] =	vst v9;
	v9 =	vadd.f32 v9, v1;
	v1 =	vld.idx.msk [tilespmem:v14+s17+$0x0], $0xffff;
	(pc) =	sbr.rel @p0 .LBB2_16-.Ltmp7, $4  }
0x1d3: {  	v3 =	vtrunc.f32 v3;
	v2 =	vmax.f32 v2, $0.0e+00;
	v10 =	vmul.f32 v7, v0;
	v7 =	vld [tilespmem:s0+$0x20]  }
0x1d4: {  	v5 =	vcvt.f32.s32 v3;
	v3 =	vmin.f32 v2, $2.550000000e+02;
	[tilespmem:s29+$0xFFFFFFF0] =	vst v12;
	v14 =	vadd.f32 v12, v9;
	v2 =	vld.idx.msk [tilespmem:v13+s17+$0x0], $0xffff  }
0x1d5: {  	v3 =	vtrunc.f32 v3;
	v12 =	vmax.f32 v10, $0.0e+00;
	v10 =	vmul.f32 v8, v0;
	v8 =	vld [tilespmem:s0+$0x30]  }
0x1d6: {  	v9 =	vcvt.f32.s32 v3;
	v12 =	vmin.f32 v12, $2.550000000e+02;
	s0 =	sadd.s32 $0x80, s0;
	[tilespmem:s29+$0x0] =	vst v11;
	v11 =	vadd.f32 v11, v14;
	v3 =	vld.idx.msk [tilespmem:v15+s17+$0x0], $0xffff  }
0x1d7: {  	_ =	sdelay $0x1  }
0x1d8: {  	v10 =	vmax.f32 v10, $0.0e+00  }
0x1d9: {  	v6 =	vmul.f32 v6, v0;
	v12 =	vtrunc.f32 v12;
	v11 =	vadd.f32 v1, v11  }
0x1da: {  	v4 =	vld.idx.msk [tilespmem:v4+s17+$0x0], $0xffff;
	v10 =	vmin.f32 v10, $2.550000000e+02;
	v12 =	vcvt.f32.s32 v12;
	v7 =	vmul.f32 v7, v0  }
0x1db: {  	v10 =	vtrunc.f32 v10;
	v6 =	vmax.f32 v6, $0.0e+00;
	v11 =	vadd.f32 v2, v11  }
0x1dc: {  	v5 =	vld.idx.msk [tilespmem:v5+s17+$0x0], $0xffff;
	v6 =	vmin.f32 v6, $2.550000000e+02;
	v10 =	vcvt.f32.s32 v10;
	v7 =	vmax.f32 v7, $0.0e+00  }
0x1dd: {  	v8 =	vmul.f32 v8, v0;
	v6 =	vtrunc.f32 v6;
	v11 =	vadd.f32 v3, v11  }
0x1de: {  	v9 =	vld.idx.msk [tilespmem:v9+s17+$0x0], $0xffff;
	v7 =	vmin.f32 v7, $2.550000000e+02;
	v6 =	vcvt.f32.s32 v6  }
0x1df: {  	v7 =	vtrunc.f32 v7;
	v8 =	vmax.f32 v8, $0.0e+00;
	v11 =	vadd.f32 v4, v11  }
0x1e0: {  	v7 =	vcvt.f32.s32 v7;
	v8 =	vmin.f32 v8, $2.550000000e+02;
	v12 =	vld.idx.msk [tilespmem:v12+s17+$0x0], $0xffff  }
0x1e1: {  	v8 =	vtrunc.f32 v8;
	v11 =	vadd.f32 v5, v11  }
0x1e2: {  	v8 =	vcvt.f32.s32 v8;
	v10 =	vld.idx.msk [tilespmem:v10+s17+$0x0], $0xffff  }
0x1e3: {  	v11 =	vadd.f32 v9, v11  }
0x1e4: {  	v6 =	vld.idx.msk [tilespmem:v6+s17+$0x0], $0xffff  }
0x1e5: {  	v11 =	vadd.f32 v12, v11  }
0x1e6: {  	v7 =	vld.idx.msk [tilespmem:v7+s17+$0x0], $0xffff  }
0x1e7: {  	v11 =	vadd.f32 v10, v11  }
0x1e8: {  	v8 =	vld.idx.msk [tilespmem:v8+s17+$0x0], $0xffff  }
0x1e9: {  	v11 =	vadd.f32 v6, v11;
	_ =	sdelay $0x1  }
0x1ea: {  	v11 =	vadd.f32 v7, v11;
	_ =	sdelay $0x1  }
0x1eb: {  	v11 =	vadd.f32 v8, v11;
	_ =	sdelay $0x1  }
0x1ec: {  	(xrf2) =	vadd.scan.msk.f32 $0xffff, v11;
	_ =	sdelay $0x9  }
0x1ed: {  	v11, _, _ =	vpop (xrf2)  }
0x1ee: {  	v11 =	vbroadcast v11, $0xF  }
0x1ef: {  	[tilespmem:s29+$0x10] =	vst v1  }
0x1f0: {  	[tilespmem:s29+$0x20] =	vst v2;
	(erf) = vrcp.f32 v11  }
0x1f1: {  	[tilespmem:s29+$0x30] =	vst v3  }
0x1f2: {  	[tilespmem:s30+$0xFFFFFFC0] =	vst v4  }
0x1f3: {  	[tilespmem:s30+$0xFFFFFFD0] =	vst v5  }
0x1f4: {  	[tilespmem:s30+$0xFFFFFFE0] =	vst v9  }
0x1f5: {  	[tilespmem:s30+$0xFFFFFFF0] =	vst v12  }
0x1f6: {  	[tilespmem:s30+$0x0] =	vst v10  }
0x1f7: {  	[tilespmem:s30+$0x10] =	vst v6  }
0x1f8: {  	[tilespmem:s30+$0x20] =	vst v7  }
0x1f9: {  	[tilespmem:s30+$0x30] =	vst v8;
	v1 =	vpop (erf)  }
0x1fa: {  	_ =	swait.ge [sflag:s26], $0x8000  }
0x1fb: {  	[sflag:s26] =	ssyncset.done $0x0  }
0x1fc: {  	s0 =	simm.s32 $0x40;
	[sflag:s26] =	ssyncadd.s32 $0xFFFF8000  }
0x1fd: {  	v4 =	vld [tilespmem:s0+$0x30]  }
0x1fe: {  	v6 =	vld [tilespmem:s0+$0xFFFFFFD0]  }
0x1ff: {  	v8 =	vld [tilespmem:s0+$0xFFFFFFE0]  }
0x200: {  	v5 =	vld [tilespmem:s0+$0xFFFFFFF0]  }
0x201: {  	v3 =	vld [tilespmem:s0+$0x0]  }
0x202: {  	v2 =	vld [tilespmem:s0+$0x10];
	v9 =	vmul.f32 v4, v1  }
0x203: {  	v4 =	vld [tilespmem:s0+$0x20];
	v7 =	vmul.f32 v6, v1  }
0x204: {  	s29 =	simm.s32 $0x0;
	s30 =	simm.s32 $0xC0;
	v6 =	vld [tilespmem:s0+$0xFFFFFFC0];
	v8 =	vmul.f32 v8, v1;
	[tilespmem:s0+$0x30] =	vst v9  }
.LBB2_18:
0x205: {  	v9 =	vld [tilespmem:s30+$0x30];
	s29 =	sadd.s32 $0x80, s29;
	[tilespmem:s0+$0xFFFFFFD0] =	vst v7;
	v5 =	vmul.f32 v5, v1  }
0x206: {  	v7 =	vld [tilespmem:s30+$0xFFFFFFD0];
	p0 =	slt.u32 s29, $0x3F80;
	[tilespmem:s0+$0xFFFFFFE0] =	vst v8;
	v3 =	vmul.f32 v3, v1  }
0x207: {  	v8 =	vld [tilespmem:s30+$0xFFFFFFE0];
	[tilespmem:s0+$0xFFFFFFF0] =	vst v5;
	v2 =	vmul.f32 v2, v1  }
.Ltmp8:
0x208: {  	v5 =	vld [tilespmem:s30+$0xFFFFFFF0];
	[tilespmem:s0+$0x0] =	vst v3;
	v4 =	vmul.f32 v4, v1;
	(pc) =	sbr.rel @p0 .LBB2_18-.Ltmp8, $4  }
0x209: {  	v3 =	vld [tilespmem:s30+$0x0];
	v6 =	vmul.f32 v6, v1;
	[tilespmem:s0+$0x10] =	vst v2  }
0x20a: {  	v2 =	vld [tilespmem:s30+$0x10];
	v9 =	vmul.f32 v9, v1;
	[tilespmem:s0+$0x20] =	vst v4  }
0x20b: {  	v7 =	vmul.f32 v7, v1;
	v4 =	vld [tilespmem:s30+$0x20];
	[tilespmem:s0+$0xFFFFFFC0] =	vst v6;
	s0 =	smov.u32 s30  }
0x20c: {  	s30 =	sadd.s32 $0x80, s30;
	v6 =	vld [tilespmem:s0+$0xFFFFFFC0];
	v8 =	vmul.f32 v8, v1;
	[tilespmem:s0+$0x30] =	vst v9  }
0x20d: {  	[tilespmem:s0+$0xFFFFFFD0] =	vst v7;
	v5 =	vmul.f32 v5, v1  }
0x20e: {  	[tilespmem:s0+$0xFFFFFFE0] =	vst v8;
	v3 =	vmul.f32 v3, v1  }
0x20f: {  	[tilespmem:s0+$0xFFFFFFF0] =	vst v5;
	v2 =	vmul.f32 v2, v1  }
0x210: {  	[tilespmem:s0+$0x0] =	vst v3;
	v3 =	vmul.f32 v4, v1  }
0x211: {  	v4 =	vmul.f32 v6, v1;
	[tilespmem:s0+$0x10] =	vst v2  }
0x212: {  	[tilespmem:s0+$0x20] =	vst v3  }
0x213: {  	[tilespmem:s0+$0xFFFFFFC0] =	vst v4;
	s0 =	simm.s32 $0x4070  }
0x214: {  	[hbm4b:s12+s15] =	stream.strided.scatter [tilespmem:s3], [sflag:$0x4], $0x4000, s16, s15, $0x38;
	[tilespmem:$0x18100] =	vst v63  }
0x215: {  	v4 =	vld [tilespmem:s0+$0x0]  }
0x216: {  	v6 =	vld [tilespmem:s0+$0xFFFFFFA0]  }
0x217: {  	v8 =	vld [tilespmem:s0+$0xFFFFFFB0]  }
0x218: {  	v5 =	vld [tilespmem:s0+$0xFFFFFFC0]  }
0x219: {  	v3 =	vld [tilespmem:s0+$0xFFFFFFD0]  }
0x21a: {  	v2 =	vld [tilespmem:s0+$0xFFFFFFE0];
	v9 =	vmul.f32 v4, v1  }
0x21b: {  	v4 =	vld [tilespmem:s0+$0xFFFFFFF0];
	v7 =	vmul.f32 v6, v1  }
0x21c: {  	s29 =	simm.s32 $0x4000;
	s30 =	simm.s32 $0x40F0;
	v6 =	vld [tilespmem:s0+$0xFFFFFF90];
	v8 =	vmul.f32 v8, v1;
	[tilespmem:s0+$0x0] =	vst v9  }
.LBB2_20:
0x21d: {  	v9 =	vld [tilespmem:s30+$0x0];
	s29 =	sadd.s32 $0x80, s29;
	[tilespmem:s0+$0xFFFFFFA0] =	vst v7;
	v5 =	vmul.f32 v5, v1  }
0x21e: {  	v7 =	vld [tilespmem:s30+$0xFFFFFFA0];
	p0 =	slt.u32 s29, $0x7F80;
	[tilespmem:s0+$0xFFFFFFB0] =	vst v8;
	v3 =	vmul.f32 v3, v1  }
0x21f: {  	v8 =	vld [tilespmem:s30+$0xFFFFFFB0];
	[tilespmem:s0+$0xFFFFFFC0] =	vst v5;
	v2 =	vmul.f32 v2, v1  }
.Ltmp9:
0x220: {  	v5 =	vld [tilespmem:s30+$0xFFFFFFC0];
	[tilespmem:s0+$0xFFFFFFD0] =	vst v3;
	v4 =	vmul.f32 v4, v1;
	(pc) =	sbr.rel @p0 .LBB2_20-.Ltmp9, $4  }
0x221: {  	v3 =	vld [tilespmem:s30+$0xFFFFFFD0];
	v6 =	vmul.f32 v6, v1;
	[tilespmem:s0+$0xFFFFFFE0] =	vst v2  }
0x222: {  	v2 =	vld [tilespmem:s30+$0xFFFFFFE0];
	v9 =	vmul.f32 v9, v1;
	[tilespmem:s0+$0xFFFFFFF0] =	vst v4  }
0x223: {  	v7 =	vmul.f32 v7, v1;
	v4 =	vld [tilespmem:s30+$0xFFFFFFF0];
	[tilespmem:s0+$0xFFFFFF90] =	vst v6;
	s0 =	smov.u32 s30  }
0x224: {  	s30 =	sadd.s32 $0x80, s30;
	v6 =	vld [tilespmem:s0+$0xFFFFFF90];
	v8 =	vmul.f32 v8, v1;
	[tilespmem:s0+$0x0] =	vst v9  }
0x225: {  	[tilespmem:s0+$0xFFFFFFA0] =	vst v7;
	v5 =	vmul.f32 v5, v1  }
0x226: {  	[tilespmem:s0+$0xFFFFFFB0] =	vst v8;
	v3 =	vmul.f32 v3, v1  }
0x227: {  	[tilespmem:s0+$0xFFFFFFC0] =	vst v5;
	v2 =	vmul.f32 v2, v1  }
0x228: {  	[tilespmem:s0+$0xFFFFFFD0] =	vst v3;
	v3 =	vmul.f32 v4, v1  }
0x229: {  	v1 =	vmul.f32 v6, v1;
	[tilespmem:s0+$0xFFFFFFE0] =	vst v2  }
0x22a: {  	[tilespmem:s0+$0xFFFFFFF0] =	vst v3  }
0x22b: {  	s28 =	sadd.s32 $0x1, s28;
	[tilespmem:s0+$0xFFFFFF90] =	vst v1  }
0x22c: {  	[hbm4b:s13+s15] =	stream.strided.scatter [tilespmem:s18], [sflag:$0x1], $0x4000, s16, s15, $0x38;
	[tilespmem:$0x18100] =	vst v63  }
0x22d: {  	p0 =	sne.s32 s28, s14;
	_ =	swait.ge [sflag:s20], $0x4000  }
.Ltmp10:
0x22e: {  	[sflag:s20] =	ssyncset.done $0x0;
	(pc) =	sbr.rel @p0 .LBB2_1-.Ltmp10, $4  }
0x22f: {  	[sflag:s20] =	ssyncadd.s32 $0xFFFFC000  }
0x230: {  	_ =	swait.ge [sflag:s21], $0x4000  }
0x231: {  	[sflag:s21] =	ssyncset.done $0x0  }
0x232: {  	[sflag:s21] =	ssyncadd.s32 $0xFFFFC000  }
0x233: {  	_ =	sfence.sel $0x180000  }
0x234: {  	[bflag:$0x0] =	sbarrier.arrive $0xFFFF  }
0x235: {  	_ =	strace $0x90000047  }
0x236: {  	[bflag:$0x2] =	sbarrier.arrive $0xFFFF  }
0x237: {  	p0 =	sne.s32 s2, $0x0;
	s0 =	rddreg [dreg:$0x3]  }
0x238: {  	s0 =	sadd.s32 @!p0 $0x100000, s0  }
0x239: {  	[sflag:s0] =	ssyncadd.tile.s32 @!p0 $0x1;
	_ =	shalt  }
.Lfunc_end2:
_tile_overlayer_lowered:
.L_overlay_start_2:
0x23a: {  	(tag) =	ssettag $0x2  }
0x23b: {  	s0 =	rddreg [dreg:$0x0];
	s2 =	stileid.u32  }
0x23c: {  	s1 =	rddreg [dreg:$0x1];
	p0 =	sne.s32 s2, $0x0  }
0x23d: {  	s3 =	rddreg [dreg:$0x2];
	[bflag:$0x3] =	sbarrier.arrive $0xFFFF;
	s2 =	simm.s32 @!p0 $0x1C07  }
0x23e: {  	[timem:s3], [sflag:s2] =	dma.local @!p0 [hbm:s0], s1  }
0x23f: {  	s0 =	simm.s32 @!p0 $0x7  }
0x240: {  	_ =	swait.ge @!p0 [sflag:s0], s1  }
0x241: {  	s1 =	ssub.s32 @!p0 $0x0, s1;
	[sflag:s0] =	ssyncset.done @!p0 $0x0  }
0x242: {  	[sflag:s0] =	ssyncadd.s32 @!p0 s1  }
0x243: {  	[bflag:$0x3] =	sbarrier.arrive $0xFFFF  }
0x244: {  	_ =	shalt  }

</sc_bundles>
